<compile_context>
chip_gen: v7x
topology: tpu7x:2x2x1
jax: 0.10.2.dev20260603
libtpu: 0.0.44.dev20260713+nightly
codegen_flags: <defaults>
</compile_context>

<pallas_src>
import functools

import jax
import jax.numpy as jnp
from jax import lax
from jax.experimental import pallas as pl
from jax.experimental.pallas import tpu as pltpu
from jax.experimental.pallas import tpu_sc as plsc

_info = plsc.get_sparse_core_info()
_NC, _NS = _info.num_cores, _info.num_subcores
_NW = _NC * _NS

_DEPTH = 4


def _make_gather(B: int, D: int, chunk: int):
    assert B % (_NW * chunk) == 0
    b_per_w = B // _NW
    n_chunks = b_per_w // chunk
    assert n_chunks >= 2 * _DEPTH and (n_chunks - _DEPTH) % _DEPTH == 0
    mesh = plsc.VectorSubcoreMesh(core_axis_name="c", subcore_axis_name="s")

    scratch = (
        [pltpu.VMEM((chunk,), jnp.int32) for _ in range(_DEPTH)]
        + [pltpu.VMEM((chunk, D), jnp.float32) for _ in range(_DEPTH)]
        + [pltpu.SemaphoreType.DMA] * (3 * _DEPTH)
    )

    @functools.partial(
        pl.kernel,
        mesh=mesh,
        out_type=jax.ShapeDtypeStruct((B, D), jnp.float32),
        compiler_params=pltpu.CompilerParams(use_tc_tiling_on_sc=False),
        scratch_types=scratch,
    )
    def gather(idx_hbm, table_hbm, out_hbm, *bufs):
        idx_v = bufs[:_DEPTH]
        rows_v = bufs[_DEPTH:2 * _DEPTH]
        gsem = bufs[2 * _DEPTH:3 * _DEPTH]
        osem = bufs[3 * _DEPTH:4 * _DEPTH]
        isem = bufs[4 * _DEPTH:5 * _DEPTH]
        wid = lax.axis_index("s") * _NC + lax.axis_index("c")
        base = wid * b_per_w

        for s in range(_DEPTH):
            pltpu.sync_copy(idx_hbm.at[pl.ds(base + s * chunk, chunk)], idx_v[s])
            pltpu.async_copy(table_hbm.at[idx_v[s]], rows_v[s], gsem[s])

        def step(c, s):
            off = base + c * chunk
            off2 = off + _DEPTH * chunk
            pltpu.make_async_copy(table_hbm.at[idx_v[s]], rows_v[s], gsem[s]).wait()
            pltpu.async_copy(rows_v[s], out_hbm.at[pl.ds(off, chunk)], osem[s])
            pltpu.async_copy(idx_hbm.at[pl.ds(off2, chunk)], idx_v[s], isem[s])
            pltpu.make_async_copy(rows_v[s], out_hbm.at[pl.ds(off, chunk)], osem[s]).wait()
            pltpu.make_async_copy(idx_hbm.at[pl.ds(off2, chunk)], idx_v[s], isem[s]).wait()
            pltpu.async_copy(table_hbm.at[idx_v[s]], rows_v[s], gsem[s])

        def body(i, carry):
            for s in range(_DEPTH):
                step(_DEPTH * i + s, s)
            return carry

        lax.fori_loop(0, (n_chunks - _DEPTH) // _DEPTH, body, 0)

        for c in range(n_chunks - _DEPTH, n_chunks):
            s = c % _DEPTH
            off = base + c * chunk
            pltpu.make_async_copy(table_hbm.at[idx_v[s]], rows_v[s], gsem[s]).wait()
            pltpu.async_copy(rows_v[s], out_hbm.at[pl.ds(off, chunk)], osem[s])
        for c in range(n_chunks - _DEPTH, n_chunks):
            s = c % _DEPTH
            off = base + c * chunk
            pltpu.make_async_copy(rows_v[s], out_hbm.at[pl.ds(off, chunk)], osem[s]).wait()

    return gather


def kernel(input, weight):
    b, s = input.shape
    vocab, d = weight.shape
    flat_idx = input.reshape(b * s)
    out = _make_gather(b * s, d, 800)(flat_idx, weight)
    return out.reshape(b, s, d)

# --- scband reference (transcript-rebuilt; emitter-appended) ---
"""Pipeline reference for scband-embedding-layer-12283606468042 (READ-ONLY COPY).

The authoritative reference and input builder live on the scoring server;
editing this copy changes nothing except your own understanding.
"""

import jax, jax.numpy as jnp
import numpy as np

VOCAB = 1000000
EMBED_DIM = 32

def setup_inputs(seed: int = 0) -> dict:
    key = jax.random.key(seed)
    k_idx, k_w = jax.random.split(key)
    input = jax.random.randint(k_idx, (16384, 200), 0, VOCAB, dtype=jnp.int64 if jax.config.jax_enable_x64 else jnp.int32).astype(jnp.int32)
    weight = jax.random.normal(k_w, (VOCAB, EMBED_DIM), dtype=jnp.float32)
    return {"input": input, "weight": weight}

def reference(input, weight):
    # nn.Embedding forward: row gather from the embedding table
    return jnp.take(weight, input, axis=0)

if __name__ == "__main__":
    import jax
    _d = setup_inputs()
    print(jax.jit(kernel)(*tuple(_d.values())))

</pallas_src>

<mosaic_0001>
#map = affine_map<(d0, d1) -> (0)>
#map1 = affine_map<(d0, d1) -> (0, 0)>
module attributes {stable_mosaic.version = 14 : i64} {
  func.func @gather(%arg0: i32, %arg1: i32, %arg2: memref<3276800xi32, #tpu.memory_space<hbm>>, %arg3: memref<1000000x32xf32, #tpu.memory_space<hbm>>, %arg4: memref<3276800x32xf32, #tpu.memory_space<hbm>>, %arg5: memref<800xi32, #tpu.memory_space<vmem>>, %arg6: memref<800xi32, #tpu.memory_space<vmem>>, %arg7: memref<800xi32, #tpu.memory_space<vmem>>, %arg8: memref<800xi32, #tpu.memory_space<vmem>>, %arg9: memref<800x32xf32, #tpu.memory_space<vmem>>, %arg10: memref<800x32xf32, #tpu.memory_space<vmem>>, %arg11: memref<800x32xf32, #tpu.memory_space<vmem>>, %arg12: memref<800x32xf32, #tpu.memory_space<vmem>>, %arg13: memref<!tpu.dma_semaphore, #tpu.memory_space<semaphore_mem>>, %arg14: memref<!tpu.dma_semaphore, #tpu.memory_space<semaphore_mem>>, %arg15: memref<!tpu.dma_semaphore, #tpu.memory_space<semaphore_mem>>, %arg16: memref<!tpu.dma_semaphore, #tpu.memory_space<semaphore_mem>>, %arg17: memref<!tpu.dma_semaphore, #tpu.memory_space<semaphore_mem>>, %arg18: memref<!tpu.dma_semaphore, #tpu.memory_space<semaphore_mem>>, %arg19: memref<!tpu.dma_semaphore, #tpu.memory_space<semaphore_mem>>, %arg20: memref<!tpu.dma_semaphore, #tpu.memory_space<semaphore_mem>>, %arg21: memref<!tpu.dma_semaphore, #tpu.memory_space<semaphore_mem>>, %arg22: memref<!tpu.dma_semaphore, #tpu.memory_space<semaphore_mem>>, %arg23: memref<!tpu.dma_semaphore, #tpu.memory_space<semaphore_mem>>, %arg24: memref<!tpu.dma_semaphore, #tpu.memory_space<semaphore_mem>>) attributes {dimension_semantics = [#tpu.dimension_semantics<core_parallel>, #tpu.dimension_semantics<subcore_parallel>], iteration_bounds = array<i64: 2, 16>, scalar_prefetch = 0 : i64, scratch_operands = 20 : i64, tpu.core_type = #tpu.core_type<sc_vector_subcore>, window_params = [{transform_indices = #map}, {transform_indices = #map1}, {transform_indices = #map1}]} {
    %mul3A = arith.constant 2 : i32
    %mul3A_0 = arith.muli %arg1, %mul3A : i32
    %add3A = arith.addi %mul3A_0, %arg0 : i32
    %mul3A_1 = arith.constant 102400 : i32
    %mul3A_2 = arith.muli %add3A, %mul3A_1 : i32
    %add3A_3 = arith.constant 0 : i32
    %add3A_4 = arith.addi %mul3A_2, %add3A_3 : i32
    "tpu.region"() ({
      %run_scoped3A = tpu.sem_alloc : memref<!tpu.dma_semaphore, #tpu.memory_space<semaphore_mem>>
      %dma_start3A_86 = tpu.memref_slice %arg2[%add3A_4] : memref<3276800xi32, #tpu.memory_space<hbm>> -> memref<800xi32, #tpu.memory_space<hbm>>
      %dma_start3A_87 = tpu.memref_slice %arg2[%add3A_4] : memref<3276800xi32, #tpu.memory_space<hbm>> -> memref<800xi32, #tpu.memory_space<hbm>>
      tpu.enqueue_dma source(%dma_start3A_87 : memref<800xi32, #tpu.memory_space<hbm>>) target(%arg5 : memref<800xi32, #tpu.memory_space<vmem>>) target_semaphore(%run_scoped3A : memref<!tpu.dma_semaphore, #tpu.memory_space<semaphore_mem>>)
      %dma_wait3A_88 = tpu.memref_slice %arg2[%add3A_4] : memref<3276800xi32, #tpu.memory_space<hbm>> -> memref<800xi32, #tpu.memory_space<hbm>>
      %dma_wait3A_89 = tpu.memref_slice %arg2[%add3A_4] : memref<3276800xi32, #tpu.memory_space<hbm>> -> memref<800xi32, #tpu.memory_space<hbm>>
      tpu.wait_dma2 semaphore(%run_scoped3A : memref<!tpu.dma_semaphore, #tpu.memory_space<semaphore_mem>>) src(%dma_wait3A_89 : memref<800xi32, #tpu.memory_space<hbm>>) dst(%arg5 : memref<800xi32, #tpu.memory_space<vmem>>)
      tpu.yield
    }) : () -> ()
    %dma_start3A = arith.constant 0 : i32
    %dma_start3A_5 = arith.constant 0 : i32
    %dma_start3A_6 = tpu.memref_slice %arg3[%dma_start3A, %dma_start3A_5] : memref<1000000x32xf32, #tpu.memory_space<hbm>> -> memref<1000000x32xf32, #tpu.memory_space<hbm>>
    tpu.enqueue_indirect_dma source(%dma_start3A_6 : memref<1000000x32xf32, #tpu.memory_space<hbm>>) target(%arg9 : memref<800x32xf32, #tpu.memory_space<vmem>>) offsets(%arg5 : memref<800xi32, #tpu.memory_space<vmem>>) semaphore(%arg13 : memref<!tpu.dma_semaphore, #tpu.memory_space<semaphore_mem>>)
    %add3A_7 = arith.constant 800 : i32
    %add3A_8 = arith.addi %mul3A_2, %add3A_7 : i32
    "tpu.region"() ({
      %run_scoped3A = tpu.sem_alloc : memref<!tpu.dma_semaphore, #tpu.memory_space<semaphore_mem>>
      %dma_start3A_86 = tpu.memref_slice %arg2[%add3A_8] : memref<3276800xi32, #tpu.memory_space<hbm>> -> memref<800xi32, #tpu.memory_space<hbm>>
      %dma_start3A_87 = tpu.memref_slice %arg2[%add3A_8] : memref<3276800xi32, #tpu.memory_space<hbm>> -> memref<800xi32, #tpu.memory_space<hbm>>
      tpu.enqueue_dma source(%dma_start3A_87 : memref<800xi32, #tpu.memory_space<hbm>>) target(%arg6 : memref<800xi32, #tpu.memory_space<vmem>>) target_semaphore(%run_scoped3A : memref<!tpu.dma_semaphore, #tpu.memory_space<semaphore_mem>>)
      %dma_wait3A_88 = tpu.memref_slice %arg2[%add3A_8] : memref<3276800xi32, #tpu.memory_space<hbm>> -> memref<800xi32, #tpu.memory_space<hbm>>
      %dma_wait3A_89 = tpu.memref_slice %arg2[%add3A_8] : memref<3276800xi32, #tpu.memory_space<hbm>> -> memref<800xi32, #tpu.memory_space<hbm>>
      tpu.wait_dma2 semaphore(%run_scoped3A : memref<!tpu.dma_semaphore, #tpu.memory_space<semaphore_mem>>) src(%dma_wait3A_89 : memref<800xi32, #tpu.memory_space<hbm>>) dst(%arg6 : memref<800xi32, #tpu.memory_space<vmem>>)
      tpu.yield
    }) : () -> ()
    %dma_start3A_9 = arith.constant 0 : i32
    %dma_start3A_10 = arith.constant 0 : i32
    %dma_start3A_11 = tpu.memref_slice %arg3[%dma_start3A_9, %dma_start3A_10] : memref<1000000x32xf32, #tpu.memory_space<hbm>> -> memref<1000000x32xf32, #tpu.memory_space<hbm>>
    tpu.enqueue_indirect_dma source(%dma_start3A_11 : memref<1000000x32xf32, #tpu.memory_space<hbm>>) target(%arg10 : memref<800x32xf32, #tpu.memory_space<vmem>>) offsets(%arg6 : memref<800xi32, #tpu.memory_space<vmem>>) semaphore(%arg14 : memref<!tpu.dma_semaphore, #tpu.memory_space<semaphore_mem>>)
    %add3A_12 = arith.constant 1600 : i32
    %add3A_13 = arith.addi %mul3A_2, %add3A_12 : i32
    "tpu.region"() ({
      %run_scoped3A = tpu.sem_alloc : memref<!tpu.dma_semaphore, #tpu.memory_space<semaphore_mem>>
      %dma_start3A_86 = tpu.memref_slice %arg2[%add3A_13] : memref<3276800xi32, #tpu.memory_space<hbm>> -> memref<800xi32, #tpu.memory_space<hbm>>
      %dma_start3A_87 = tpu.memref_slice %arg2[%add3A_13] : memref<3276800xi32, #tpu.memory_space<hbm>> -> memref<800xi32, #tpu.memory_space<hbm>>
      tpu.enqueue_dma source(%dma_start3A_87 : memref<800xi32, #tpu.memory_space<hbm>>) target(%arg7 : memref<800xi32, #tpu.memory_space<vmem>>) target_semaphore(%run_scoped3A : memref<!tpu.dma_semaphore, #tpu.memory_space<semaphore_mem>>)
      %dma_wait3A_88 = tpu.memref_slice %arg2[%add3A_13] : memref<3276800xi32, #tpu.memory_space<hbm>> -> memref<800xi32, #tpu.memory_space<hbm>>
      %dma_wait3A_89 = tpu.memref_slice %arg2[%add3A_13] : memref<3276800xi32, #tpu.memory_space<hbm>> -> memref<800xi32, #tpu.memory_space<hbm>>
      tpu.wait_dma2 semaphore(%run_scoped3A : memref<!tpu.dma_semaphore, #tpu.memory_space<semaphore_mem>>) src(%dma_wait3A_89 : memref<800xi32, #tpu.memory_space<hbm>>) dst(%arg7 : memref<800xi32, #tpu.memory_space<vmem>>)
      tpu.yield
    }) : () -> ()
    %dma_start3A_14 = arith.constant 0 : i32
    %dma_start3A_15 = arith.constant 0 : i32
    %dma_start3A_16 = tpu.memref_slice %arg3[%dma_start3A_14, %dma_start3A_15] : memref<1000000x32xf32, #tpu.memory_space<hbm>> -> memref<1000000x32xf32, #tpu.memory_space<hbm>>
    tpu.enqueue_indirect_dma source(%dma_start3A_16 : memref<1000000x32xf32, #tpu.memory_space<hbm>>) target(%arg11 : memref<800x32xf32, #tpu.memory_space<vmem>>) offsets(%arg7 : memref<800xi32, #tpu.memory_space<vmem>>) semaphore(%arg15 : memref<!tpu.dma_semaphore, #tpu.memory_space<semaphore_mem>>)
    %add3A_17 = arith.constant 2400 : i32
    %add3A_18 = arith.addi %mul3A_2, %add3A_17 : i32
    "tpu.region"() ({
      %run_scoped3A = tpu.sem_alloc : memref<!tpu.dma_semaphore, #tpu.memory_space<semaphore_mem>>
      %dma_start3A_86 = tpu.memref_slice %arg2[%add3A_18] : memref<3276800xi32, #tpu.memory_space<hbm>> -> memref<800xi32, #tpu.memory_space<hbm>>
      %dma_start3A_87 = tpu.memref_slice %arg2[%add3A_18] : memref<3276800xi32, #tpu.memory_space<hbm>> -> memref<800xi32, #tpu.memory_space<hbm>>
      tpu.enqueue_dma source(%dma_start3A_87 : memref<800xi32, #tpu.memory_space<hbm>>) target(%arg8 : memref<800xi32, #tpu.memory_space<vmem>>) target_semaphore(%run_scoped3A : memref<!tpu.dma_semaphore, #tpu.memory_space<semaphore_mem>>)
      %dma_wait3A_88 = tpu.memref_slice %arg2[%add3A_18] : memref<3276800xi32, #tpu.memory_space<hbm>> -> memref<800xi32, #tpu.memory_space<hbm>>
      %dma_wait3A_89 = tpu.memref_slice %arg2[%add3A_18] : memref<3276800xi32, #tpu.memory_space<hbm>> -> memref<800xi32, #tpu.memory_space<hbm>>
      tpu.wait_dma2 semaphore(%run_scoped3A : memref<!tpu.dma_semaphore, #tpu.memory_space<semaphore_mem>>) src(%dma_wait3A_89 : memref<800xi32, #tpu.memory_space<hbm>>) dst(%arg8 : memref<800xi32, #tpu.memory_space<vmem>>)
      tpu.yield
    }) : () -> ()
    %dma_start3A_19 = arith.constant 0 : i32
    %dma_start3A_20 = arith.constant 0 : i32
    %dma_start3A_21 = tpu.memref_slice %arg3[%dma_start3A_19, %dma_start3A_20] : memref<1000000x32xf32, #tpu.memory_space<hbm>> -> memref<1000000x32xf32, #tpu.memory_space<hbm>>
    tpu.enqueue_indirect_dma source(%dma_start3A_21 : memref<1000000x32xf32, #tpu.memory_space<hbm>>) target(%arg12 : memref<800x32xf32, #tpu.memory_space<vmem>>) offsets(%arg8 : memref<800xi32, #tpu.memory_space<vmem>>) semaphore(%arg16 : memref<!tpu.dma_semaphore, #tpu.memory_space<semaphore_mem>>)
    %scan3A = arith.constant 0 : i32
    %scan3A_22 = arith.constant 0 : i32
    %scan3A_23 = arith.constant 31 : i32
    %scan3A_24 = arith.addi %scan3A_22, %scan3A_23 : i32
    %scan3A_25 = arith.constant 1 : i32
    scf.for %scan3A_86 = %scan3A_22 to %scan3A_24 step %scan3A_25  : i32 {
      %mul3A_87 = arith.constant 4 : i32
      %mul3A_88 = arith.muli %mul3A_87, %scan3A_86 : i32
      %add3A_89 = arith.constant 0 : i32
      %add3A_90 = arith.addi %mul3A_88, %add3A_89 : i32
      %mul3A_91 = arith.constant 800 : i32
      %mul3A_92 = arith.muli %add3A_90, %mul3A_91 : i32
      %add3A_93 = arith.addi %mul3A_2, %mul3A_92 : i32
      %add3A_94 = arith.constant 3200 : i32
      %add3A_95 = arith.addi %add3A_93, %add3A_94 : i32
      %dma_wait3A_96 = arith.constant 0 : i32
      %dma_wait3A_97 = arith.constant 0 : i32
      %dma_wait3A_98 = tpu.memref_slice %arg3[%dma_wait3A_96, %dma_wait3A_97] : memref<1000000x32xf32, #tpu.memory_space<hbm>> -> memref<1000000x32xf32, #tpu.memory_space<hbm>>
      tpu.wait_indirect_dma semaphore(%arg13 : memref<!tpu.dma_semaphore, #tpu.memory_space<semaphore_mem>>) src(%dma_wait3A_98 : memref<1000000x32xf32, #tpu.memory_space<hbm>>) dst(%arg9 : memref<800x32xf32, #tpu.memory_space<vmem>>)
      %dma_start3A_99 = arith.constant 0 : i32
      %dma_start3A_100 = tpu.memref_slice %arg4[%add3A_93, %dma_start3A_99] : memref<3276800x32xf32, #tpu.memory_space<hbm>> -> memref<800x32xf32, #tpu.memory_space<hbm>>
      %dma_start3A_101 = arith.constant 0 : i32
      %dma_start3A_102 = tpu.memref_slice %arg4[%add3A_93, %dma_start3A_101] : memref<3276800x32xf32, #tpu.memory_space<hbm>> -> memref<800x32xf32, #tpu.memory_space<hbm>>
      tpu.enqueue_dma source(%arg9 : memref<800x32xf32, #tpu.memory_space<vmem>>) target(%dma_start3A_102 : memref<800x32xf32, #tpu.memory_space<hbm>>) target_semaphore(%arg17 : memref<!tpu.dma_semaphore, #tpu.memory_space<semaphore_mem>>)
      %dma_start3A_103 = tpu.memref_slice %arg2[%add3A_95] : memref<3276800xi32, #tpu.memory_space<hbm>> -> memref<800xi32, #tpu.memory_space<hbm>>
      %dma_start3A_104 = tpu.memref_slice %arg2[%add3A_95] : memref<3276800xi32, #tpu.memory_space<hbm>> -> memref<800xi32, #tpu.memory_space<hbm>>
      tpu.enqueue_dma source(%dma_start3A_104 : memref<800xi32, #tpu.memory_space<hbm>>) target(%arg5 : memref<800xi32, #tpu.memory_space<vmem>>) target_semaphore(%arg21 : memref<!tpu.dma_semaphore, #tpu.memory_space<semaphore_mem>>)
      %dma_wait3A_105 = arith.constant 0 : i32
      %dma_wait3A_106 = tpu.memref_slice %arg4[%add3A_93, %dma_wait3A_105] : memref<3276800x32xf32, #tpu.memory_space<hbm>> -> memref<800x32xf32, #tpu.memory_space<hbm>>
      %dma_wait3A_107 = arith.constant 0 : i32
      %dma_wait3A_108 = tpu.memref_slice %arg4[%add3A_93, %dma_wait3A_107] : memref<3276800x32xf32, #tpu.memory_space<hbm>> -> memref<800x32xf32, #tpu.memory_space<hbm>>
      tpu.wait_dma2 semaphore(%arg17 : memref<!tpu.dma_semaphore, #tpu.memory_space<semaphore_mem>>) src(%arg9 : memref<800x32xf32, #tpu.memory_space<vmem>>) dst(%dma_wait3A_108 : memref<800x32xf32, #tpu.memory_space<hbm>>)
      %dma_wait3A_109 = tpu.memref_slice %arg2[%add3A_95] : memref<3276800xi32, #tpu.memory_space<hbm>> -> memref<800xi32, #tpu.memory_space<hbm>>
      %dma_wait3A_110 = tpu.memref_slice %arg2[%add3A_95] : memref<3276800xi32, #tpu.memory_space<hbm>> -> memref<800xi32, #tpu.memory_space<hbm>>
      tpu.wait_dma2 semaphore(%arg21 : memref<!tpu.dma_semaphore, #tpu.memory_space<semaphore_mem>>) src(%dma_wait3A_110 : memref<800xi32, #tpu.memory_space<hbm>>) dst(%arg5 : memref<800xi32, #tpu.memory_space<vmem>>)
      %dma_start3A_111 = arith.constant 0 : i32
      %dma_start3A_112 = arith.constant 0 : i32
      %dma_start3A_113 = tpu.memref_slice %arg3[%dma_start3A_111, %dma_start3A_112] : memref<1000000x32xf32, #tpu.memory_space<hbm>> -> memref<1000000x32xf32, #tpu.memory_space<hbm>>
      tpu.enqueue_indirect_dma source(%dma_start3A_113 : memref<1000000x32xf32, #tpu.memory_space<hbm>>) target(%arg9 : memref<800x32xf32, #tpu.memory_space<vmem>>) offsets(%arg5 : memref<800xi32, #tpu.memory_space<vmem>>) semaphore(%arg13 : memref<!tpu.dma_semaphore, #tpu.memory_space<semaphore_mem>>)
      %mul3A_114 = arith.constant 4 : i32
      %mul3A_115 = arith.muli %mul3A_114, %scan3A_86 : i32
      %add3A_116 = arith.constant 1 : i32
      %add3A_117 = arith.addi %mul3A_115, %add3A_116 : i32
      %mul3A_118 = arith.constant 800 : i32
      %mul3A_119 = arith.muli %add3A_117, %mul3A_118 : i32
      %add3A_120 = arith.addi %mul3A_2, %mul3A_119 : i32
      %add3A_121 = arith.constant 3200 : i32
      %add3A_122 = arith.addi %add3A_120, %add3A_121 : i32
      %dma_wait3A_123 = arith.constant 0 : i32
      %dma_wait3A_124 = arith.constant 0 : i32
      %dma_wait3A_125 = tpu.memref_slice %arg3[%dma_wait3A_123, %dma_wait3A_124] : memref<1000000x32xf32, #tpu.memory_space<hbm>> -> memref<1000000x32xf32, #tpu.memory_space<hbm>>
      tpu.wait_indirect_dma semaphore(%arg14 : memref<!tpu.dma_semaphore, #tpu.memory_space<semaphore_mem>>) src(%dma_wait3A_125 : memref<1000000x32xf32, #tpu.memory_space<hbm>>) dst(%arg10 : memref<800x32xf32, #tpu.memory_space<vmem>>)
      %dma_start3A_126 = arith.constant 0 : i32
      %dma_start3A_127 = tpu.memref_slice %arg4[%add3A_120, %dma_start3A_126] : memref<3276800x32xf32, #tpu.memory_space<hbm>> -> memref<800x32xf32, #tpu.memory_space<hbm>>
      %dma_start3A_128 = arith.constant 0 : i32
      %dma_start3A_129 = tpu.memref_slice %arg4[%add3A_120, %dma_start3A_128] : memref<3276800x32xf32, #tpu.memory_space<hbm>> -> memref<800x32xf32, #tpu.memory_space<hbm>>
      tpu.enqueue_dma source(%arg10 : memref<800x32xf32, #tpu.memory_space<vmem>>) target(%dma_start3A_129 : memref<800x32xf32, #tpu.memory_space<hbm>>) target_semaphore(%arg18 : memref<!tpu.dma_semaphore, #tpu.memory_space<semaphore_mem>>)
      %dma_start3A_130 = tpu.memref_slice %arg2[%add3A_122] : memref<3276800xi32, #tpu.memory_space<hbm>> -> memref<800xi32, #tpu.memory_space<hbm>>
      %dma_start3A_131 = tpu.memref_slice %arg2[%add3A_122] : memref<3276800xi32, #tpu.memory_space<hbm>> -> memref<800xi32, #tpu.memory_space<hbm>>
      tpu.enqueue_dma source(%dma_start3A_131 : memref<800xi32, #tpu.memory_space<hbm>>) target(%arg6 : memref<800xi32, #tpu.memory_space<vmem>>) target_semaphore(%arg22 : memref<!tpu.dma_semaphore, #tpu.memory_space<semaphore_mem>>)
      %dma_wait3A_132 = arith.constant 0 : i32
      %dma_wait3A_133 = tpu.memref_slice %arg4[%add3A_120, %dma_wait3A_132] : memref<3276800x32xf32, #tpu.memory_space<hbm>> -> memref<800x32xf32, #tpu.memory_space<hbm>>
      %dma_wait3A_134 = arith.constant 0 : i32
      %dma_wait3A_135 = tpu.memref_slice %arg4[%add3A_120, %dma_wait3A_134] : memref<3276800x32xf32, #tpu.memory_space<hbm>> -> memref<800x32xf32, #tpu.memory_space<hbm>>
      tpu.wait_dma2 semaphore(%arg18 : memref<!tpu.dma_semaphore, #tpu.memory_space<semaphore_mem>>) src(%arg10 : memref<800x32xf32, #tpu.memory_space<vmem>>) dst(%dma_wait3A_135 : memref<800x32xf32, #tpu.memory_space<hbm>>)
      %dma_wait3A_136 = tpu.memref_slice %arg2[%add3A_122] : memref<3276800xi32, #tpu.memory_space<hbm>> -> memref<800xi32, #tpu.memory_space<hbm>>
      %dma_wait3A_137 = tpu.memref_slice %arg2[%add3A_122] : memref<3276800xi32, #tpu.memory_space<hbm>> -> memref<800xi32, #tpu.memory_space<hbm>>
      tpu.wait_dma2 semaphore(%arg22 : memref<!tpu.dma_semaphore, #tpu.memory_space<semaphore_mem>>) src(%dma_wait3A_137 : memref<800xi32, #tpu.memory_space<hbm>>) dst(%arg6 : memref<800xi32, #tpu.memory_space<vmem>>)
      %dma_start3A_138 = arith.constant 0 : i32
      %dma_start3A_139 = arith.constant 0 : i32
      %dma_start3A_140 = tpu.memref_slice %arg3[%dma_start3A_138, %dma_start3A_139] : memref<1000000x32xf32, #tpu.memory_space<hbm>> -> memref<1000000x32xf32, #tpu.memory_space<hbm>>
      tpu.enqueue_indirect_dma source(%dma_start3A_140 : memref<1000000x32xf32, #tpu.memory_space<hbm>>) target(%arg10 : memref<800x32xf32, #tpu.memory_space<vmem>>) offsets(%arg6 : memref<800xi32, #tpu.memory_space<vmem>>) semaphore(%arg14 : memref<!tpu.dma_semaphore, #tpu.memory_space<semaphore_mem>>)
      %mul3A_141 = arith.constant 4 : i32
      %mul3A_142 = arith.muli %mul3A_141, %scan3A_86 : i32
      %add3A_143 = arith.constant 2 : i32
      %add3A_144 = arith.addi %mul3A_142, %add3A_143 : i32
      %mul3A_145 = arith.constant 800 : i32
      %mul3A_146 = arith.muli %add3A_144, %mul3A_145 : i32
      %add3A_147 = arith.addi %mul3A_2, %mul3A_146 : i32
      %add3A_148 = arith.constant 3200 : i32
      %add3A_149 = arith.addi %add3A_147, %add3A_148 : i32
      %dma_wait3A_150 = arith.constant 0 : i32
      %dma_wait3A_151 = arith.constant 0 : i32
      %dma_wait3A_152 = tpu.memref_slice %arg3[%dma_wait3A_150, %dma_wait3A_151] : memref<1000000x32xf32, #tpu.memory_space<hbm>> -> memref<1000000x32xf32, #tpu.memory_space<hbm>>
      tpu.wait_indirect_dma semaphore(%arg15 : memref<!tpu.dma_semaphore, #tpu.memory_space<semaphore_mem>>) src(%dma_wait3A_152 : memref<1000000x32xf32, #tpu.memory_space<hbm>>) dst(%arg11 : memref<800x32xf32, #tpu.memory_space<vmem>>)
      %dma_start3A_153 = arith.constant 0 : i32
      %dma_start3A_154 = tpu.memref_slice %arg4[%add3A_147, %dma_start3A_153] : memref<3276800x32xf32, #tpu.memory_space<hbm>> -> memref<800x32xf32, #tpu.memory_space<hbm>>
      %dma_start3A_155 = arith.constant 0 : i32
      %dma_start3A_156 = tpu.memref_slice %arg4[%add3A_147, %dma_start3A_155] : memref<3276800x32xf32, #tpu.memory_space<hbm>> -> memref<800x32xf32, #tpu.memory_space<hbm>>
      tpu.enqueue_dma source(%arg11 : memref<800x32xf32, #tpu.memory_space<vmem>>) target(%dma_start3A_156 : memref<800x32xf32, #tpu.memory_space<hbm>>) target_semaphore(%arg19 : memref<!tpu.dma_semaphore, #tpu.memory_space<semaphore_mem>>)
      %dma_start3A_157 = tpu.memref_slice %arg2[%add3A_149] : memref<3276800xi32, #tpu.memory_space<hbm>> -> memref<800xi32, #tpu.memory_space<hbm>>
      %dma_start3A_158 = tpu.memref_slice %arg2[%add3A_149] : memref<3276800xi32, #tpu.memory_space<hbm>> -> memref<800xi32, #tpu.memory_space<hbm>>
      tpu.enqueue_dma source(%dma_start3A_158 : memref<800xi32, #tpu.memory_space<hbm>>) target(%arg7 : memref<800xi32, #tpu.memory_space<vmem>>) target_semaphore(%arg23 : memref<!tpu.dma_semaphore, #tpu.memory_space<semaphore_mem>>)
      %dma_wait3A_159 = arith.constant 0 : i32
      %dma_wait3A_160 = tpu.memref_slice %arg4[%add3A_147, %dma_wait3A_159] : memref<3276800x32xf32, #tpu.memory_space<hbm>> -> memref<800x32xf32, #tpu.memory_space<hbm>>
      %dma_wait3A_161 = arith.constant 0 : i32
      %dma_wait3A_162 = tpu.memref_slice %arg4[%add3A_147, %dma_wait3A_161] : memref<3276800x32xf32, #tpu.memory_space<hbm>> -> memref<800x32xf32, #tpu.memory_space<hbm>>
      tpu.wait_dma2 semaphore(%arg19 : memref<!tpu.dma_semaphore, #tpu.memory_space<semaphore_mem>>) src(%arg11 : memref<800x32xf32, #tpu.memory_space<vmem>>) dst(%dma_wait3A_162 : memref<800x32xf32, #tpu.memory_space<hbm>>)
      %dma_wait3A_163 = tpu.memref_slice %arg2[%add3A_149] : memref<3276800xi32, #tpu.memory_space<hbm>> -> memref<800xi32, #tpu.memory_space<hbm>>
      %dma_wait3A_164 = tpu.memref_slice %arg2[%add3A_149] : memref<3276800xi32, #tpu.memory_space<hbm>> -> memref<800xi32, #tpu.memory_space<hbm>>
      tpu.wait_dma2 semaphore(%arg23 : memref<!tpu.dma_semaphore, #tpu.memory_space<semaphore_mem>>) src(%dma_wait3A_164 : memref<800xi32, #tpu.memory_space<hbm>>) dst(%arg7 : memref<800xi32, #tpu.memory_space<vmem>>)
      %dma_start3A_165 = arith.constant 0 : i32
      %dma_start3A_166 = arith.constant 0 : i32
      %dma_start3A_167 = tpu.memref_slice %arg3[%dma_start3A_165, %dma_start3A_166] : memref<1000000x32xf32, #tpu.memory_space<hbm>> -> memref<1000000x32xf32, #tpu.memory_space<hbm>>
      tpu.enqueue_indirect_dma source(%dma_start3A_167 : memref<1000000x32xf32, #tpu.memory_space<hbm>>) target(%arg11 : memref<800x32xf32, #tpu.memory_space<vmem>>) offsets(%arg7 : memref<800xi32, #tpu.memory_space<vmem>>) semaphore(%arg15 : memref<!tpu.dma_semaphore, #tpu.memory_space<semaphore_mem>>)
      %mul3A_168 = arith.constant 4 : i32
      %mul3A_169 = arith.muli %mul3A_168, %scan3A_86 : i32
      %add3A_170 = arith.constant 3 : i32
      %add3A_171 = arith.addi %mul3A_169, %add3A_170 : i32
      %mul3A_172 = arith.constant 800 : i32
      %mul3A_173 = arith.muli %add3A_171, %mul3A_172 : i32
      %add3A_174 = arith.addi %mul3A_2, %mul3A_173 : i32
      %add3A_175 = arith.constant 3200 : i32
      %add3A_176 = arith.addi %add3A_174, %add3A_175 : i32
      %dma_wait3A_177 = arith.constant 0 : i32
      %dma_wait3A_178 = arith.constant 0 : i32
      %dma_wait3A_179 = tpu.memref_slice %arg3[%dma_wait3A_177, %dma_wait3A_178] : memref<1000000x32xf32, #tpu.memory_space<hbm>> -> memref<1000000x32xf32, #tpu.memory_space<hbm>>
      tpu.wait_indirect_dma semaphore(%arg16 : memref<!tpu.dma_semaphore, #tpu.memory_space<semaphore_mem>>) src(%dma_wait3A_179 : memref<1000000x32xf32, #tpu.memory_space<hbm>>) dst(%arg12 : memref<800x32xf32, #tpu.memory_space<vmem>>)
      %dma_start3A_180 = arith.constant 0 : i32
      %dma_start3A_181 = tpu.memref_slice %arg4[%add3A_174, %dma_start3A_180] : memref<3276800x32xf32, #tpu.memory_space<hbm>> -> memref<800x32xf32, #tpu.memory_space<hbm>>
      %dma_start3A_182 = arith.constant 0 : i32
      %dma_start3A_183 = tpu.memref_slice %arg4[%add3A_174, %dma_start3A_182] : memref<3276800x32xf32, #tpu.memory_space<hbm>> -> memref<800x32xf32, #tpu.memory_space<hbm>>
      tpu.enqueue_dma source(%arg12 : memref<800x32xf32, #tpu.memory_space<vmem>>) target(%dma_start3A_183 : memref<800x32xf32, #tpu.memory_space<hbm>>) target_semaphore(%arg20 : memref<!tpu.dma_semaphore, #tpu.memory_space<semaphore_mem>>)
      %dma_start3A_184 = tpu.memref_slice %arg2[%add3A_176] : memref<3276800xi32, #tpu.memory_space<hbm>> -> memref<800xi32, #tpu.memory_space<hbm>>
      %dma_start3A_185 = tpu.memref_slice %arg2[%add3A_176] : memref<3276800xi32, #tpu.memory_space<hbm>> -> memref<800xi32, #tpu.memory_space<hbm>>
      tpu.enqueue_dma source(%dma_start3A_185 : memref<800xi32, #tpu.memory_space<hbm>>) target(%arg8 : memref<800xi32, #tpu.memory_space<vmem>>) target_semaphore(%arg24 : memref<!tpu.dma_semaphore, #tpu.memory_space<semaphore_mem>>)
      %dma_wait3A_186 = arith.constant 0 : i32
      %dma_wait3A_187 = tpu.memref_slice %arg4[%add3A_174, %dma_wait3A_186] : memref<3276800x32xf32, #tpu.memory_space<hbm>> -> memref<800x32xf32, #tpu.memory_space<hbm>>
      %dma_wait3A_188 = arith.constant 0 : i32
      %dma_wait3A_189 = tpu.memref_slice %arg4[%add3A_174, %dma_wait3A_188] : memref<3276800x32xf32, #tpu.memory_space<hbm>> -> memref<800x32xf32, #tpu.memory_space<hbm>>
      tpu.wait_dma2 semaphore(%arg20 : memref<!tpu.dma_semaphore, #tpu.memory_space<semaphore_mem>>) src(%arg12 : memref<800x32xf32, #tpu.memory_space<vmem>>) dst(%dma_wait3A_189 : memref<800x32xf32, #tpu.memory_space<hbm>>)
      %dma_wait3A_190 = tpu.memref_slice %arg2[%add3A_176] : memref<3276800xi32, #tpu.memory_space<hbm>> -> memref<800xi32, #tpu.memory_space<hbm>>
      %dma_wait3A_191 = tpu.memref_slice %arg2[%add3A_176] : memref<3276800xi32, #tpu.memory_space<hbm>> -> memref<800xi32, #tpu.memory_space<hbm>>
      tpu.wait_dma2 semaphore(%arg24 : memref<!tpu.dma_semaphore, #tpu.memory_space<semaphore_mem>>) src(%dma_wait3A_191 : memref<800xi32, #tpu.memory_space<hbm>>) dst(%arg8 : memref<800xi32, #tpu.memory_space<vmem>>)
      %dma_start3A_192 = arith.constant 0 : i32
      %dma_start3A_193 = arith.constant 0 : i32
      %dma_start3A_194 = tpu.memref_slice %arg3[%dma_start3A_192, %dma_start3A_193] : memref<1000000x32xf32, #tpu.memory_space<hbm>> -> memref<1000000x32xf32, #tpu.memory_space<hbm>>
      tpu.enqueue_indirect_dma source(%dma_start3A_194 : memref<1000000x32xf32, #tpu.memory_space<hbm>>) target(%arg12 : memref<800x32xf32, #tpu.memory_space<vmem>>) offsets(%arg8 : memref<800xi32, #tpu.memory_space<vmem>>) semaphore(%arg16 : memref<!tpu.dma_semaphore, #tpu.memory_space<semaphore_mem>>)
    }
    %scan3A_26 = arith.constant 31 : i32
    %add3A_27 = arith.constant 99200 : i32
    %add3A_28 = arith.addi %mul3A_2, %add3A_27 : i32
    %dma_wait3A = arith.constant 0 : i32
    %dma_wait3A_29 = arith.constant 0 : i32
    %dma_wait3A_30 = tpu.memref_slice %arg3[%dma_wait3A, %dma_wait3A_29] : memref<1000000x32xf32, #tpu.memory_space<hbm>> -> memref<1000000x32xf32, #tpu.memory_space<hbm>>
    tpu.wait_indirect_dma semaphore(%arg13 : memref<!tpu.dma_semaphore, #tpu.memory_space<semaphore_mem>>) src(%dma_wait3A_30 : memref<1000000x32xf32, #tpu.memory_space<hbm>>) dst(%arg9 : memref<800x32xf32, #tpu.memory_space<vmem>>)
    %dma_start3A_31 = arith.constant 0 : i32
    %dma_start3A_32 = tpu.memref_slice %arg4[%add3A_28, %dma_start3A_31] : memref<3276800x32xf32, #tpu.memory_space<hbm>> -> memref<800x32xf32, #tpu.memory_space<hbm>>
    %dma_start3A_33 = arith.constant 0 : i32
    %dma_start3A_34 = tpu.memref_slice %arg4[%add3A_28, %dma_start3A_33] : memref<3276800x32xf32, #tpu.memory_space<hbm>> -> memref<800x32xf32, #tpu.memory_space<hbm>>
    tpu.enqueue_dma source(%arg9 : memref<800x32xf32, #tpu.memory_space<vmem>>) target(%dma_start3A_34 : memref<800x32xf32, #tpu.memory_space<hbm>>) target_semaphore(%arg17 : memref<!tpu.dma_semaphore, #tpu.memory_space<semaphore_mem>>)
    %add3A_35 = arith.constant 100000 : i32
    %add3A_36 = arith.addi %mul3A_2, %add3A_35 : i32
    %dma_wait3A_37 = arith.constant 0 : i32
    %dma_wait3A_38 = arith.constant 0 : i32
    %dma_wait3A_39 = tpu.memref_slice %arg3[%dma_wait3A_37, %dma_wait3A_38] : memref<1000000x32xf32, #tpu.memory_space<hbm>> -> memref<1000000x32xf32, #tpu.memory_space<hbm>>
    tpu.wait_indirect_dma semaphore(%arg14 : memref<!tpu.dma_semaphore, #tpu.memory_space<semaphore_mem>>) src(%dma_wait3A_39 : memref<1000000x32xf32, #tpu.memory_space<hbm>>) dst(%arg10 : memref<800x32xf32, #tpu.memory_space<vmem>>)
    %dma_start3A_40 = arith.constant 0 : i32
    %dma_start3A_41 = tpu.memref_slice %arg4[%add3A_36, %dma_start3A_40] : memref<3276800x32xf32, #tpu.memory_space<hbm>> -> memref<800x32xf32, #tpu.memory_space<hbm>>
    %dma_start3A_42 = arith.constant 0 : i32
    %dma_start3A_43 = tpu.memref_slice %arg4[%add3A_36, %dma_start3A_42] : memref<3276800x32xf32, #tpu.memory_space<hbm>> -> memref<800x32xf32, #tpu.memory_space<hbm>>
    tpu.enqueue_dma source(%arg10 : memref<800x32xf32, #tpu.memory_space<vmem>>) target(%dma_start3A_43 : memref<800x32xf32, #tpu.memory_space<hbm>>) target_semaphore(%arg18 : memref<!tpu.dma_semaphore, #tpu.memory_space<semaphore_mem>>)
    %add3A_44 = arith.constant 100800 : i32
    %add3A_45 = arith.addi %mul3A_2, %add3A_44 : i32
    %dma_wait3A_46 = arith.constant 0 : i32
    %dma_wait3A_47 = arith.constant 0 : i32
    %dma_wait3A_48 = tpu.memref_slice %arg3[%dma_wait3A_46, %dma_wait3A_47] : memref<1000000x32xf32, #tpu.memory_space<hbm>> -> memref<1000000x32xf32, #tpu.memory_space<hbm>>
    tpu.wait_indirect_dma semaphore(%arg15 : memref<!tpu.dma_semaphore, #tpu.memory_space<semaphore_mem>>) src(%dma_wait3A_48 : memref<1000000x32xf32, #tpu.memory_space<hbm>>) dst(%arg11 : memref<800x32xf32, #tpu.memory_space<vmem>>)
    %dma_start3A_49 = arith.constant 0 : i32
    %dma_start3A_50 = tpu.memref_slice %arg4[%add3A_45, %dma_start3A_49] : memref<3276800x32xf32, #tpu.memory_space<hbm>> -> memref<800x32xf32, #tpu.memory_space<hbm>>
    %dma_start3A_51 = arith.constant 0 : i32
    %dma_start3A_52 = tpu.memref_slice %arg4[%add3A_45, %dma_start3A_51] : memref<3276800x32xf32, #tpu.memory_space<hbm>> -> memref<800x32xf32, #tpu.memory_space<hbm>>
    tpu.enqueue_dma source(%arg11 : memref<800x32xf32, #tpu.memory_space<vmem>>) target(%dma_start3A_52 : memref<800x32xf32, #tpu.memory_space<hbm>>) target_semaphore(%arg19 : memref<!tpu.dma_semaphore, #tpu.memory_space<semaphore_mem>>)
    %add3A_53 = arith.constant 101600 : i32
    %add3A_54 = arith.addi %mul3A_2, %add3A_53 : i32
    %dma_wait3A_55 = arith.constant 0 : i32
    %dma_wait3A_56 = arith.constant 0 : i32
    %dma_wait3A_57 = tpu.memref_slice %arg3[%dma_wait3A_55, %dma_wait3A_56] : memref<1000000x32xf32, #tpu.memory_space<hbm>> -> memref<1000000x32xf32, #tpu.memory_space<hbm>>
    tpu.wait_indirect_dma semaphore(%arg16 : memref<!tpu.dma_semaphore, #tpu.memory_space<semaphore_mem>>) src(%dma_wait3A_57 : memref<1000000x32xf32, #tpu.memory_space<hbm>>) dst(%arg12 : memref<800x32xf32, #tpu.memory_space<vmem>>)
    %dma_start3A_58 = arith.constant 0 : i32
    %dma_start3A_59 = tpu.memref_slice %arg4[%add3A_54, %dma_start3A_58] : memref<3276800x32xf32, #tpu.memory_space<hbm>> -> memref<800x32xf32, #tpu.memory_space<hbm>>
    %dma_start3A_60 = arith.constant 0 : i32
    %dma_start3A_61 = tpu.memref_slice %arg4[%add3A_54, %dma_start3A_60] : memref<3276800x32xf32, #tpu.memory_space<hbm>> -> memref<800x32xf32, #tpu.memory_space<hbm>>
    tpu.enqueue_dma source(%arg12 : memref<800x32xf32, #tpu.memory_space<vmem>>) target(%dma_start3A_61 : memref<800x32xf32, #tpu.memory_space<hbm>>) target_semaphore(%arg20 : memref<!tpu.dma_semaphore, #tpu.memory_space<semaphore_mem>>)
    %add3A_62 = arith.constant 99200 : i32
    %add3A_63 = arith.addi %mul3A_2, %add3A_62 : i32
    %dma_wait3A_64 = arith.constant 0 : i32
    %dma_wait3A_65 = tpu.memref_slice %arg4[%add3A_63, %dma_wait3A_64] : memref<3276800x32xf32, #tpu.memory_space<hbm>> -> memref<800x32xf32, #tpu.memory_space<hbm>>
    %dma_wait3A_66 = arith.constant 0 : i32
    %dma_wait3A_67 = tpu.memref_slice %arg4[%add3A_63, %dma_wait3A_66] : memref<3276800x32xf32, #tpu.memory_space<hbm>> -> memref<800x32xf32, #tpu.memory_space<hbm>>
    tpu.wait_dma2 semaphore(%arg17 : memref<!tpu.dma_semaphore, #tpu.memory_space<semaphore_mem>>) src(%arg9 : memref<800x32xf32, #tpu.memory_space<vmem>>) dst(%dma_wait3A_67 : memref<800x32xf32, #tpu.memory_space<hbm>>)
    %add3A_68 = arith.constant 100000 : i32
    %add3A_69 = arith.addi %mul3A_2, %add3A_68 : i32
    %dma_wait3A_70 = arith.constant 0 : i32
    %dma_wait3A_71 = tpu.memref_slice %arg4[%add3A_69, %dma_wait3A_70] : memref<3276800x32xf32, #tpu.memory_space<hbm>> -> memref<800x32xf32, #tpu.memory_space<hbm>>
    %dma_wait3A_72 = arith.constant 0 : i32
    %dma_wait3A_73 = tpu.memref_slice %arg4[%add3A_69, %dma_wait3A_72] : memref<3276800x32xf32, #tpu.memory_space<hbm>> -> memref<800x32xf32, #tpu.memory_space<hbm>>
    tpu.wait_dma2 semaphore(%arg18 : memref<!tpu.dma_semaphore, #tpu.memory_space<semaphore_mem>>) src(%arg10 : memref<800x32xf32, #tpu.memory_space<vmem>>) dst(%dma_wait3A_73 : memref<800x32xf32, #tpu.memory_space<hbm>>)
    %add3A_74 = arith.constant 100800 : i32
    %add3A_75 = arith.addi %mul3A_2, %add3A_74 : i32
    %dma_wait3A_76 = arith.constant 0 : i32
    %dma_wait3A_77 = tpu.memref_slice %arg4[%add3A_75, %dma_wait3A_76] : memref<3276800x32xf32, #tpu.memory_space<hbm>> -> memref<800x32xf32, #tpu.memory_space<hbm>>
    %dma_wait3A_78 = arith.constant 0 : i32
    %dma_wait3A_79 = tpu.memref_slice %arg4[%add3A_75, %dma_wait3A_78] : memref<3276800x32xf32, #tpu.memory_space<hbm>> -> memref<800x32xf32, #tpu.memory_space<hbm>>
    tpu.wait_dma2 semaphore(%arg19 : memref<!tpu.dma_semaphore, #tpu.memory_space<semaphore_mem>>) src(%arg11 : memref<800x32xf32, #tpu.memory_space<vmem>>) dst(%dma_wait3A_79 : memref<800x32xf32, #tpu.memory_space<hbm>>)
    %add3A_80 = arith.constant 101600 : i32
    %add3A_81 = arith.addi %mul3A_2, %add3A_80 : i32
    %dma_wait3A_82 = arith.constant 0 : i32
    %dma_wait3A_83 = tpu.memref_slice %arg4[%add3A_81, %dma_wait3A_82] : memref<3276800x32xf32, #tpu.memory_space<hbm>> -> memref<800x32xf32, #tpu.memory_space<hbm>>
    %dma_wait3A_84 = arith.constant 0 : i32
    %dma_wait3A_85 = tpu.memref_slice %arg4[%add3A_81, %dma_wait3A_84] : memref<3276800x32xf32, #tpu.memory_space<hbm>> -> memref<800x32xf32, #tpu.memory_space<hbm>>
    tpu.wait_dma2 semaphore(%arg20 : memref<!tpu.dma_semaphore, #tpu.memory_space<semaphore_mem>>) src(%arg12 : memref<800x32xf32, #tpu.memory_space<vmem>>) dst(%dma_wait3A_85 : memref<800x32xf32, #tpu.memory_space<hbm>>)
    return
  }
}

</mosaic_0001>

<sc_bundles>
// kernel: kernel.3.cloned.1.call-start
scs
__scs_entry_jumppad:
0x0: {  	(pc) =	sbr.rel $0x88, $3  }
0x1: {  	(tag) =	ssettag $0x0;
	lr =	simm.s32 $0x1  }
0x2: {  	[smem:$0x3F9F] =	sst lr;
	_ =	strace $0xD0000000  }
0x3: {  	_ = 	snop  }
0x4: {  	_ = 	snop  }
0x5: {  	_ = 	snop  }
0x6: {  	_ = 	snop  }
0x7: {  	_ = 	snop  }
__scs_overlays_trampoline_lowered:
0x8: {  	[smem:$0x3FAE] =	sst s0  }
0x9: {  	[smem:$0x3FAF] =	sst s1  }
0xa: {  	[smem:$0x3FB0] =	sst s2  }
0xb: {  	[smem:$0x3FB1] =	sst s3  }
0xc: {  	[smem:$0x3FB2] =	sst s4  }
0xd: {  	[smem:$0x3FB3] =	sst s5  }
0xe: {  	[smem:$0x3FB4] =	sst s6  }
0xf: {  	[smem:$0x3FB5] =	sst s7  }
0x10: {  	[smem:$0x3FB6] =	sst s8  }
0x11: {  	[smem:$0x3FB7] =	sst s9;
	s0 =	simm.s32 @!p0 $0x0  }
0x12: {  	s1 =	sld [smem:$0x3F9D];
	s0 =	simm.s32 @p0 $0x1  }
0x13: {  	[smem:$0x3FB8] =	sst s0;
	s0 =	simm.s32 @!p1 $0x0  }
0x14: {  	s2 =	sld [smem:$0x3F9C];
	s0 =	simm.s32 @p1 $0x1  }
0x15: {  	[smem:$0x3FB9] =	sst s0;
	s0 =	simm.s32 @!p2 $0x0  }
0x16: {  	s3 =	sld [smem:$0x3FDB];
	s0 =	simm.s32 @p2 $0x1  }
0x17: {  	s4 =	simm.s32 $0x1BF5;
	[smem:$0x3FBB] =	sst s0  }
0x18: {  	s0 =	sld [smem:$0x3F9E];
	_ =	swait.ge [sflag:s4], $0x0  }
0x19: {  	s7 =	sld [smem:$0x3F9F]  }
0x1a: {  	s8 =	sadd.s32 $0xFFFFE003, lr  }
0x1b: {  	s9 =	sadd.s32 $0xFFFFFEF7, lr;
	s5 =	simm.s32 $0xFFFFFFFF;
	p2 =	slt.u32 s8, $0xFFFFF086  }
0x1c: {  	p1 =	slt.u32 s9, $0xF7A;
	s5 =	simm.s32 @!p2 $0x0  }
0x1d: {  	s5 =	simm.s32 @p1 $0x1;
	p0 =	seq.s32 s7, s2  }
0x1e: {  	s7 =	smul.u32 @!p0 $0xF7A, s2;
	p2 =	seq.s32 @!p0 s5, $0x0  }
0x1f: {  	s9 =	smul.u32 $0xF7A, s1;
	s8 =	simm.s32 @!p0 $0x1BF5;
	p2 =	por !p2, p0  }
0x20: {  	[sflag:s8] =	ssyncset.s32 @!p0 $0xFFFFF086;
	s6 =	sadd.s32 @!p0 s3, s7;
	s7 =	simm.s32 @!p0 $0x108  }
0x21: {  	s3 =	sadd.s32 s3, s9;
	s6 =	sadd.s32 @!p0 $0x88, s6;
	s7 =	simm.s32 @p2 $0x1082  }
0x22: {  	[simem:s7], [sflag:s8] =	dma.local @!p0 [hbm:s6], $0xF7A  }
0x23: {  	s9 =	sor.u32 $0xD0000000, s2;
	s6 =	simm.s32 $0x108;
	_ =	swait.ge @!p0 [sflag:s8], $0x0  }
0x24: {  	s3 =	sadd.s32 $0x88, s3;
	s6 =	simm.s32 @!p1 $0x1082;
	[sflag:s4] =	ssyncset.s32 $0xFFFFF086  }
0x25: {  	[simem:s6], [sflag:s4] =	dma.local [hbm:s3], $0xF7A  }
0x26: {  	[smem:$0x3F9F] =	sst s1;
	(tag) =	ssettag s2;
	_ =	strace s9  }
0x27: {  	s1 =	sld [smem:$0x3FAF]  }
0x28: {  	s2 =	sld [smem:$0x3FB0]  }
0x29: {  	s4 =	sld [smem:$0x3FB2]  }
0x2a: {  	p0 =	seq.s32 s5, $0x0;
	s5 =	sld [smem:$0x3FB3]  }
0x2b: {  	s6 =	sld [smem:$0x3FB4]  }
0x2c: {  	s7 =	sld [smem:$0x3FB5]  }
0x2d: {  	s3 =	simm.s32 $0x108;
	s8 =	sld [smem:$0x3FB6]  }
0x2e: {  	s3 =	simm.s32 @!p0 $0x1082;
	s9 =	sld [smem:$0x3FB7]  }
0x2f: {  	lr =	sadd.s32 s0, s3;
	s0 =	sld [smem:$0x3FAE]  }
0x30: {  	s3 =	sld [smem:$0x3FB1]  }
0x31: {  	[smem:$0x3FBA] =	sst s10  }
0x32: {  	s10 =	sld [smem:$0x3FB8];
	_ =	sdelay $0x3  }
0x33: {  	p0 =	seq.s32 s10, $0x1;
	s10 =	sld [smem:$0x3FBA];
	_ =	sdelay $0x3  }
0x34: {  	[smem:$0x3FBA] =	sst s10  }
0x35: {  	s10 =	sld [smem:$0x3FB9];
	_ =	sdelay $0x3  }
0x36: {  	p1 =	seq.s32 s10, $0x1;
	s10 =	sld [smem:$0x3FBA];
	_ =	sdelay $0x3  }
0x37: {  	[smem:$0x3FBA] =	sst s10  }
0x38: {  	s10 =	sld [smem:$0x3FBB]  }
0x39: {  	_ = 	snop;
	(pc) =	sbr.ind lr, $3  }
0x3a: {  	_ = 	snop  }
0x3b: {  	_ = 	snop  }
0x3c: {  	p2 =	seq.s32 s10, $0x1;
	s10 =	sld [smem:$0x3FBA]  }
0x3d: {  	_ =	shalt  }
0x3e: {  	_ =	shalt  }
0x3f: {  	_ =	shalt  }
0x40: {  	_ =	shalt  }
0x41: {  	_ =	shalt  }
0x42: {  	_ =	shalt  }
0x43: {  	_ =	shalt  }
0x44: {  	_ =	shalt  }
0x45: {  	_ =	shalt  }
0x46: {  	_ =	shalt  }
0x47: {  	_ =	shalt  }
0x48: {  	_ =	shalt  }
0x49: {  	_ =	shalt  }
0x4a: {  	_ =	shalt  }
0x4b: {  	_ =	shalt  }
0x4c: {  	_ =	shalt  }
0x4d: {  	_ =	shalt  }
0x4e: {  	_ =	shalt  }
0x4f: {  	_ =	shalt  }
0x50: {  	_ =	shalt  }
0x51: {  	_ =	shalt  }
0x52: {  	_ =	shalt  }
0x53: {  	_ =	shalt  }
0x54: {  	_ =	shalt  }
0x55: {  	_ =	shalt  }
0x56: {  	_ =	shalt  }
0x57: {  	_ =	shalt  }
0x58: {  	_ =	shalt  }
0x59: {  	_ =	shalt  }
0x5a: {  	_ =	shalt  }
0x5b: {  	_ =	shalt  }
0x5c: {  	_ =	shalt  }
0x5d: {  	_ =	shalt  }
0x5e: {  	_ =	shalt  }
0x5f: {  	_ =	shalt  }
0x60: {  	_ =	shalt  }
0x61: {  	_ =	shalt  }
0x62: {  	_ =	shalt  }
0x63: {  	_ =	shalt  }
0x64: {  	_ =	shalt  }
0x65: {  	_ =	shalt  }
0x66: {  	_ =	shalt  }
0x67: {  	_ =	shalt  }
0x68: {  	_ =	shalt  }
0x69: {  	_ =	shalt  }
0x6a: {  	_ =	shalt  }
0x6b: {  	_ =	shalt  }
0x6c: {  	_ =	shalt  }
0x6d: {  	_ =	shalt  }
0x6e: {  	_ =	shalt  }
0x6f: {  	_ =	shalt  }
0x70: {  	_ =	shalt  }
0x71: {  	_ =	shalt  }
0x72: {  	_ =	shalt  }
0x73: {  	_ =	shalt  }
0x74: {  	_ =	shalt  }
0x75: {  	_ =	shalt  }
0x76: {  	_ =	shalt  }
0x77: {  	_ =	shalt  }
0x78: {  	_ =	shalt  }
0x79: {  	_ =	shalt  }
0x7a: {  	_ =	shalt  }
0x7b: {  	_ =	shalt  }
0x7c: {  	_ =	shalt  }
0x7d: {  	_ =	shalt  }
0x7e: {  	_ =	shalt  }
0x7f: {  	_ =	shalt  }
0x80: {  	_ =	shalt  }
0x81: {  	_ =	shalt  }
0x82: {  	_ =	shalt  }
0x83: {  	_ =	shalt  }
0x84: {  	_ =	shalt  }
0x85: {  	_ =	shalt  }
0x86: {  	_ =	shalt  }
0x87: {  	_ =	shalt  }
.Lfunc_end0:
.L_simem_size_0:
called_computation.1_lowered:
.L_overlay_start_0:
0x88: {  	s2 =	sld [smem:$0x3FD9]  }
0x89: {  	s3 =	sld [smem:$0x3FFE];
	_ =	sdelay $0x1  }
0x8a: {  	s1 =	srdreg.scid  }
0x8b: {  	s0 =	sand.u32 $0x1, s1  }
0x8c: {  	s17 =	sshll.u32 s0, $0xA;
	s2 =	sadd.s32 s3, s2  }
0x8d: {  	s2 =	sadd.s32 s2, s17  }
0x8e: {  	[smem:$0x3FC6] =	sst s2  }
0x8f: {  	_ = 	snop  }
0x90: {  	s2 =	sld [smem:$0x3FD0];
	(tm) =	ssettm $0x1  }
0x91: {  	s18 =	sld [smem:$0x3FFB];
	_ =	sdelay $0x3  }
0x92: {  	_ =	strace s18  }
0x93: {  	s3 =	sld [smem:$0x3FFC];
	_ =	sdelay $0x3  }
0x94: {  	_ =	strace s3  }
0x95: {  	s3 =	sld [smem:$0x3FFD];
	_ =	sdelay $0x3  }
0x96: {  	_ =	strace s3  }
0x97: {  	_ =	strace $0x8FFFFFFF  }
0x98: {  	s19 =	sld [smem:$0x3FDB];
	_ =	sdelay $0x1  }
0x99: {  	s4 =	simm.s32 $_scs_section_size  }
0x9a: {  	s5 =	simm.s32 $_size__tile_overlayer_lowered;
	s6 =	simm.s32 $_tile_overlayer_lowered  }
0x9b: {  	s22 =	simm.s32 $0x1BFF;
	s21 =	sshll.u32 s6, $0x1;
	s3 =	sadd.s32 s4, s19  }
0x9c: {  	s7 =	simm.s32 $0x0;
	s20 =	sshll.u32 s5, $0x1;
	s5 =	sadd.s32 s21, s3  }
0x9d: {  	[timem:s7], [sflag:s22] =	dma.local [hbm:s5], s20  }
0x9e: {  	_ =	swait.ge [sflag:s22], s20  }
0x9f: {  	s4 =	ssub.s32 $0x0, s20;
	[sflag:s22] =	ssyncset.done $0x0  }
0xa0: {  	[sflag:s22] =	ssyncadd.s32 s4;
	_ =	sdelay $0x1  }
0xa1: {  	s23 =	simm.s32 $0x1B8B  }
0xa2: {  	_ =	swait.ge [sflag:s23], $0x1  }
0xa3: {  	[sflag:s23] =	ssyncset.done $0x0  }
0xa4: {  	s25 =	simm.s32 $0x1B8E;
	s24 =	sld [smem:$0x3FFE];
	[sflag:s23] =	ssyncadd.s32 $0xFFFFFFFF  }
0xa5: {  	s26 =	simm.s32 $execute0_lowered;
	[smem:$0x3FD2] =	sst s25  }
0xa6: {  	s5 =	sshll.u32 s26, $0x1;
	_ =	strace $0x80000046;
	[dreg:$0x1] =	wrdreg $0xFFFFFFFF  }
0xa7: {  	s28 =	simm.s32 $_size_execute0_lowered;
	s3 =	sadd.s32 s3, s5;
	[dreg:$0x0] =	wrdreg $0x0  }
0xa8: {  	s5 =	sshll.u32 s28, $0x1;
	[dreg:$0x2] =	wrdreg s3  }
0xa9: {  	[dreg:$0x3] =	wrdreg s5  }
0xaa: {  	[dreg:$0x4] =	wrdreg $0xC0  }
0xab: {  	_ =	task [dreg:s7], $0x5FFFF  }
0xac: {  	[dreg:$0x1] =	wrdreg $0xFFFFFFFF  }
0xad: {  	[dreg:$0x0] =	wrdreg $0x60  }
0xae: {  	[dreg:$0x2] =	wrdreg s24  }
0xaf: {  	[dreg:$0x3] =	wrdreg s2  }
0xb0: {  	[dreg:$0x4] =	wrdreg $0x9  }
0xb1: {  	_ =	task.clear_ibuf [dreg:s7], $0x5FFFF;
	_ =	strace $0x90000046  }
0xb2: {  	s29 =	simm.s32 $0x9;
	_ =	strace $0x80000048  }
0xb3: {  	_ =	swait.ge [sflag:s29], $0x1  }
0xb4: {  	[sflag:s29] =	ssyncadd.s32 $0xFFFFFFFF  }
0xb5: {  	_ =	strace $0x90000048  }
0xb6: {  	_ =	sfence  }
0xb7: {  	s30 =	sld [smem:$0x0];
	_ =	sdelay $0x2  }
0xb8: {  	s31 =	sshll.u32 s1, $0xD;
	s1 =	sshrl.u32 s1, $0x2  }
0xb9: {  	s3 =	sand.u32 $0x4000, s31;
	s1 =	sadd.s32 s1, s30  }
0xba: {  	s0 =	sor.u32 s3, s0;
	s1 =	sshll.u32 s1, $0x11  }
0xbb: {  	s0 =	sor.u32 s1, s0  }
0xbc: {  	s0 =	sadd.s32 $0x8F2B, s0  }
0xbd: {  	[sflag:s0] =	ssyncadd.remote.s32 $0x1  }
0xbe: {  	_ =	sfence.sel $0xFFFF  }
0xbf: {  	[dreg:$0x0] =	wrdreg $0xFFFFFFFF;
	(pc) =	sbr.abs _section_cstart, $3  }
0xc0: {  	[dreg:$0x1] =	wrdreg $0xFFFFFFFF  }
0xc1: {  	_ =	task.clear_ibuf [dreg:s7], $0x2FFFF;
	_ =	strace $0x9FFFFFFF  }
0xc2: {  	(tm) =	ssettm $0x7FFFFFFF  }
0xc3: {  	_ =	shalt  }
tec
execute0_lowered:
.L_overlay_start_1:
0x0: {  	(tag) =	ssettag $0x1  }
0x1: {  	s0 =	rddreg [dreg:$0x0]  }
0x2: {  	s1 =	rddreg [dreg:$0x1];
	s3 =	srdreg.scid  }
0x3: {  	s10 =	stileid.u32;
	s2 =	simm.s32 $0x0;
	s28 =	simm.s32 $0x9  }
0x4: {  	s29 =	simm.s32 $0x2;
	s30 =	simm.s32 $0x6;
	s31 =	simm.s32 $0xA  }
0x5: {  	s4 =	sand.u32 $0x1, s3;
	s22 =	sshll.u32 s10, $0x1;
	s9 =	smul.u32 $0x32000, s10  }
0x6: {  	[smem:$0x7FF] =	sst s2;
	s6 =	sadd.s32 $0x800, s0;
	s25 =	smul.u32 $0x19000, s4  }
0x7: {  	s5 =	sor.u32 s4, s22;
	s23 =	ssub.s32 $0x2, s4;
	s22 =	smul.u32 $0xC8000, s10  }
0x8: {  	s3 =	sadd.s32 $0xFA6C00, s0;
	s7 =	smul.u32 $0x19000, s5;
	s8 =	sshrl.u32 s23, $0x1  }
0x9: {  	_ =	strace $0x80000047;
	s5 =	smul.u32 $0x320000, s5;
	s0 =	ssub.s32 s23, s8  }
0xa: {  	s23 =	smul.u32 $0x64000, s4;
	s7 =	sshrl.u32 s7, $0x3;
	s0 =	smax.u32 s0, $0x1  }
0xb: {  	s5 =	sshrl.u32 s5, $0x3;
	s24 =	sadd.s32 s6, s7;
	[dreg:$0xf] =	wrdreg s0  }
0xc: {  	s5 =	sadd.s32 s1, s5;
	s11 =	sadd.s32 $0x64, s24;
	[dreg:$0x7] =	wrdreg s24  }
0xd: {  	s7 =	sadd.s32 s25, s9;
	s26 =	sadd.s32 $0xC8, s24;
	[dreg:$0x8] =	wrdreg s11  }
0xe: {  	s9 =	simm.s32 $0x0;
	s8 =	sadd.s32 $0x12C, s24;
	[dreg:$0x9] =	wrdreg s26  }
0xf: {  	s12 =	sadd.s32 $0x60E00, s5;
	s13 =	sadd.s32 $0x61A80, s5;
	[dreg:$0xa] =	wrdreg s8  }
0x10: {  	s14 =	sshll.u32 s7, $0x2;
	s15 =	sadd.s32 $0x62700, s5;
	[dreg:$0xb] =	wrdreg s12  }
0x11: {  	s5 =	sadd.s32 $0x63380, s5;
	s18 =	sadd.s32 $0x15E0, s7;
	[dreg:$0xc] =	wrdreg s13  }
0x12: {  	s21 =	sadd.s32 $0x12C0, s7;
	s24 =	sor.u32 $0xFA0, s7;
	[dreg:$0xd] =	wrdreg s15  }
0x13: {  	s25 =	sor.u32 $0xC80, s7;
	s7 =	simm.s32 $0x8;
	[dreg:$0xe] =	wrdreg s5  }
0x14: {  	s16 =	sadd.s32 s14, s1;
	s19 =	sshrl.u32 s18, $0x3;
	s1 =	sadd.s32 s22, s1  }
0x15: {  	s4 =	sshrl.u32 s24, $0x3;
	s26 =	sshrl.u32 s25, $0x3;
	s18 =	simm.s32 $0x320  }
0x16: {  	s22 =	simm.s32 $0xD480;
	s24 =	simm.s32 $0x13880;
	s17 =	sadd.s32 $0x2580, s16  }
0x17: {  	s25 =	simm.s32 $0x1;
	s0 =	sadd.s32 s19, s6;
	[dreg:$0x3] =	wrdreg s17  }
0x18: {  	s8 =	simm.s32 $0xC;
	s20 =	sadd.s32 $0x1900, s16;
	[dreg:$0x10] =	wrdreg s0  }
0x19: {  	s5 =	sadd.s32 $0xC80, s16;
	s4 =	sadd.s32 s4, s6;
	[dreg:$0x4] =	wrdreg s20  }
0x1a: {  	s16 =	sadd.s32 s26, s6;
	s19 =	simm.s32 $0xC80;
	[dreg:$0x5] =	wrdreg s5  }
0x1b: {  	s26 =	simm.s32 $0x5;
	s0 =	sshrl.u32 s21, $0x3;
	[dreg:$0x12] =	wrdreg s4  }
0x1c: {  	s17 =	simm.s32 $0xD;
	s20 =	simm.s32 $0x7080;
	s21 =	simm.s32 $0x640  }
0x1d: {  	s5 =	simm.s32 $0xB;
	s0 =	sadd.s32 s0, s6;
	s6 =	simm.s32 $0x4  }
0x1e: {  	[dreg:$0x11] =	wrdreg s0;
	s0 =	sadd.s32 s23, s1;
	s23 =	simm.s32 $0x960  }
0x1f: {  	s1 =	simm.s32 $0x7;
	[dreg:$0x6] =	wrdreg s0;
	s0 =	simm.s32 $0x3  }
.LBB2_1:
0x20: {  	s4 =	rddreg [dreg:$0x7]  }
0x21: {  	[tilespmem:s2], [sflag:$0xD] =	stream.linear.gather [hbm4b:s4+s2], $0x320, $0x38;
	[tilespmem:$0x19C80] =	vst v63  }
0x22: {  	_ =	swait.ge [sflag:s17], $0x320  }
0x23: {  	[sflag:s17] =	ssyncset.done $0x0  }
0x24: {  	[sflag:s17] =	ssyncadd.s32 $0xFFFFFCE0  }
0x25: {  	[tilespmem:s19], [sflag:$0x1] =	stream.indirect.gather [hbm4b:s3+s18], $0x20, s2, s18, $0xb8;
	[tilespmem:$0x19C80] =	vst v63  }
0x26: {  	s14 =	rddreg [dreg:$0x8]  }
0x27: {  	[tilespmem:s18], [sflag:$0xD] =	stream.linear.gather [hbm4b:s14+s2], $0x320, $0x38;
	[tilespmem:$0x19C80] =	vst v63  }
0x28: {  	_ =	swait.ge [sflag:s17], $0x320  }
0x29: {  	[sflag:s17] =	ssyncset.done $0x0  }
0x2a: {  	[sflag:s17] =	ssyncadd.s32 $0xFFFFFCE0  }
0x2b: {  	[tilespmem:s20], [sflag:$0x2] =	stream.indirect.gather [hbm4b:s3+s18], $0x20, s18, s18, $0xb8;
	[tilespmem:$0x19C80] =	vst v63  }
0x2c: {  	s15 =	rddreg [dreg:$0x9]  }
0x2d: {  	[tilespmem:s21], [sflag:$0xD] =	stream.linear.gather [hbm4b:s15+s2], $0x320, $0x38;
	[tilespmem:$0x19C80] =	vst v63  }
0x2e: {  	_ =	swait.ge [sflag:s17], $0x320  }
0x2f: {  	[sflag:s17] =	ssyncset.done $0x0  }
0x30: {  	[sflag:s17] =	ssyncadd.s32 $0xFFFFFCE0  }
0x31: {  	[tilespmem:s22], [sflag:$0x3] =	stream.indirect.gather [hbm4b:s3+s18], $0x20, s21, s18, $0xb8;
	[tilespmem:$0x19C80] =	vst v63  }
0x32: {  	s10 =	rddreg [dreg:$0xa]  }
0x33: {  	[tilespmem:s23], [sflag:$0xD] =	stream.linear.gather [hbm4b:s10+s2], $0x320, $0x38;
	[tilespmem:$0x19C80] =	vst v63  }
0x34: {  	_ =	swait.ge [sflag:s17], $0x320  }
0x35: {  	[sflag:s17] =	ssyncset.done $0x0  }
0x36: {  	[sflag:s17] =	ssyncadd.s32 $0xFFFFFCE0  }
0x37: {  	[tilespmem:s24], [sflag:$0x4] =	stream.indirect.gather [hbm4b:s3+s18], $0x20, s23, s18, $0xb8;
	[tilespmem:$0x19C80] =	vst v63  }
0x38: {  	_ =	swait.ge [sflag:s25], $0x6400  }
0x39: {  	s11 =	rddreg [dreg:$0x6];
	[sflag:s25] =	ssyncset.done $0x0  }
0x3a: {  	[sflag:s25] =	ssyncadd.s32 $0xFFFF9C00;
	s4 =	sadd.s32 $0x0, s11  }
0x3b: {  	[hbm4b:s4+s2] =	stream.linear.scatter [tilespmem:s19], [sflag:$0x5], $0x6400, $0x38;
	[tilespmem:$0x19C80] =	vst v63  }
0x3c: {  	_ = 	snop  }
0x3d: {  	[tilespmem:s2], [sflag:$0x9] =	stream.linear.gather [hbm4b:s16+s2], $0x320, $0x38;
	[tilespmem:$0x19C80] =	vst v63  }
0x3e: {  	_ =	swait.ge [sflag:s26], $0x6400  }
0x3f: {  	[sflag:s26] =	ssyncset.done $0x0  }
0x40: {  	[sflag:s26] =	ssyncadd.s32 $0xFFFF9C00  }
0x41: {  	_ =	swait.ge [sflag:s28], $0x320  }
0x42: {  	[sflag:s28] =	ssyncset.done $0x0  }
0x43: {  	[sflag:s28] =	ssyncadd.s32 $0xFFFFFCE0  }
0x44: {  	[tilespmem:s19], [sflag:$0x1] =	stream.indirect.gather [hbm4b:s3+s18], $0x20, s2, s18, $0xb8;
	[tilespmem:$0x19C80] =	vst v63  }
0x45: {  	_ =	swait.ge [sflag:s29], $0x6400  }
0x46: {  	s12 =	rddreg [dreg:$0x5];
	[sflag:s29] =	ssyncset.done $0x0  }
0x47: {  	[sflag:s29] =	ssyncadd.s32 $0xFFFF9C00;
	s4 =	sadd.s32 $0x0, s12  }
0x48: {  	[hbm4b:s4+s2] =	stream.linear.scatter [tilespmem:s20], [sflag:$0x6], $0x6400, $0x38;
	[tilespmem:$0x19C80] =	vst v63  }
0x49: {  	s11 =	rddreg [dreg:$0x12]  }
0x4a: {  	[tilespmem:s18], [sflag:$0xA] =	stream.linear.gather [hbm4b:s11+s2], $0x320, $0x38;
	[tilespmem:$0x19C80] =	vst v63  }
0x4b: {  	_ =	swait.ge [sflag:s30], $0x6400  }
0x4c: {  	[sflag:s30] =	ssyncset.done $0x0  }
0x4d: {  	[sflag:s30] =	ssyncadd.s32 $0xFFFF9C00  }
0x4e: {  	_ =	swait.ge [sflag:s31], $0x320  }
0x4f: {  	[sflag:s31] =	ssyncset.done $0x0  }
0x50: {  	[sflag:s31] =	ssyncadd.s32 $0xFFFFFCE0  }
0x51: {  	[tilespmem:s20], [sflag:$0x2] =	stream.indirect.gather [hbm4b:s3+s18], $0x20, s18, s18, $0xb8;
	[tilespmem:$0x19C80] =	vst v63  }
0x52: {  	_ =	swait.ge [sflag:s0], $0x6400  }
0x53: {  	s13 =	rddreg [dreg:$0x4];
	[sflag:s0] =	ssyncset.done $0x0  }
0x54: {  	[sflag:s0] =	ssyncadd.s32 $0xFFFF9C00;
	s4 =	sadd.s32 $0x0, s13  }
0x55: {  	[hbm4b:s4+s2] =	stream.linear.scatter [tilespmem:s22], [sflag:$0x7], $0x6400, $0x38;
	[tilespmem:$0x19C80] =	vst v63  }
0x56: {  	s13 =	rddreg [dreg:$0x11]  }
0x57: {  	[tilespmem:s21], [sflag:$0xB] =	stream.linear.gather [hbm4b:s13+s2], $0x320, $0x38;
	[tilespmem:$0x19C80] =	vst v63  }
0x58: {  	_ =	swait.ge [sflag:s1], $0x6400  }
0x59: {  	[sflag:s1] =	ssyncset.done $0x0  }
0x5a: {  	[sflag:s1] =	ssyncadd.s32 $0xFFFF9C00  }
0x5b: {  	_ =	swait.ge [sflag:s5], $0x320  }
0x5c: {  	[sflag:s5] =	ssyncset.done $0x0  }
0x5d: {  	[sflag:s5] =	ssyncadd.s32 $0xFFFFFCE0  }
0x5e: {  	[tilespmem:s22], [sflag:$0x3] =	stream.indirect.gather [hbm4b:s3+s18], $0x20, s21, s18, $0xb8;
	[tilespmem:$0x19C80] =	vst v63  }
0x5f: {  	_ =	swait.ge [sflag:s6], $0x6400  }
0x60: {  	s14 =	rddreg [dreg:$0x3];
	[sflag:s6] =	ssyncset.done $0x0  }
0x61: {  	[sflag:s6] =	ssyncadd.s32 $0xFFFF9C00;
	s4 =	sadd.s32 $0x0, s14  }
0x62: {  	[hbm4b:s4+s2] =	stream.linear.scatter [tilespmem:s24], [sflag:$0x8], $0x6400, $0x38;
	[tilespmem:$0x19C80] =	vst v63  }
0x63: {  	s15 =	rddreg [dreg:$0x10]  }
0x64: {  	[tilespmem:s23], [sflag:$0xC] =	stream.linear.gather [hbm4b:s15+s2], $0x320, $0x38;
	[tilespmem:$0x19C80] =	vst v63  }
0x65: {  	_ =	swait.ge [sflag:s7], $0x6400  }
0x66: {  	[sflag:s7] =	ssyncset.done $0x0  }
0x67: {  	[sflag:s7] =	ssyncadd.s32 $0xFFFF9C00  }
0x68: {  	s10 =	simm.s32 $0x3200;
	_ =	swait.ge [sflag:s8], $0x320  }
0x69: {  	s12 =	sadd.s32 $0x190, s16;
	s11 =	sadd.s32 $0x190, s11;
	[sflag:s8] =	ssyncset.done $0x0  }
0x6a: {  	s13 =	sadd.s32 $0x190, s13;
	s4 =	sadd.s32 $0x190, s15;
	[sflag:s8] =	ssyncadd.s32 $0xFFFFFCE0  }
.LBB2_2:
0x6b: {  	[tilespmem:s24], [sflag:$0x4] =	stream.indirect.gather [hbm4b:s3+s18], $0x20, s23, s18, $0xb8;
	[tilespmem:$0x19C80] =	vst v63  }
0x6c: {  	_ =	swait.ge [sflag:s25], $0x6400  }
0x6d: {  	s14 =	smov.u32 s10;
	s15 =	rddreg [dreg:$0x6];
	[sflag:s25] =	ssyncset.done $0x0  }
0x6e: {  	[sflag:s25] =	ssyncadd.s32 $0xFFFF9C00;
	s15 =	sadd.s32 s14, s15  }
0x6f: {  	[hbm4b:s15+s2] =	stream.linear.scatter [tilespmem:s19], [sflag:$0x5], $0x6400, $0x38;
	[tilespmem:$0x19C80] =	vst v63  }
0x70: {  	_ = 	snop  }
0x71: {  	[tilespmem:s2], [sflag:$0x9] =	stream.linear.gather [hbm4b:s12+s2], $0x320, $0x38;
	[tilespmem:$0x19C80] =	vst v63  }
0x72: {  	_ =	swait.ge [sflag:s26], $0x6400  }
0x73: {  	[sflag:s26] =	ssyncset.done $0x0  }
0x74: {  	[sflag:s26] =	ssyncadd.s32 $0xFFFF9C00  }
0x75: {  	_ =	swait.ge [sflag:s28], $0x320  }
0x76: {  	[sflag:s28] =	ssyncset.done $0x0  }
0x77: {  	[sflag:s28] =	ssyncadd.s32 $0xFFFFFCE0  }
0x78: {  	[tilespmem:s19], [sflag:$0x1] =	stream.indirect.gather [hbm4b:s3+s18], $0x20, s2, s18, $0xb8;
	[tilespmem:$0x19C80] =	vst v63  }
0x79: {  	_ =	swait.ge [sflag:s29], $0x6400  }
0x7a: {  	s15 =	rddreg [dreg:$0x5];
	[sflag:s29] =	ssyncset.done $0x0  }
0x7b: {  	[sflag:s29] =	ssyncadd.s32 $0xFFFF9C00;
	s15 =	sadd.s32 s14, s15  }
0x7c: {  	[hbm4b:s15+s2] =	stream.linear.scatter [tilespmem:s20], [sflag:$0x6], $0x6400, $0x38;
	[tilespmem:$0x19C80] =	vst v63  }
0x7d: {  	_ = 	snop  }
0x7e: {  	[tilespmem:s18], [sflag:$0xA] =	stream.linear.gather [hbm4b:s11+s2], $0x320, $0x38;
	[tilespmem:$0x19C80] =	vst v63  }
0x7f: {  	_ =	swait.ge [sflag:s30], $0x6400  }
0x80: {  	[sflag:s30] =	ssyncset.done $0x0  }
0x81: {  	[sflag:s30] =	ssyncadd.s32 $0xFFFF9C00  }
0x82: {  	_ =	swait.ge [sflag:s31], $0x320  }
0x83: {  	[sflag:s31] =	ssyncset.done $0x0  }
0x84: {  	[sflag:s31] =	ssyncadd.s32 $0xFFFFFCE0  }
0x85: {  	[tilespmem:s20], [sflag:$0x2] =	stream.indirect.gather [hbm4b:s3+s18], $0x20, s18, s18, $0xb8;
	[tilespmem:$0x19C80] =	vst v63  }
0x86: {  	_ =	swait.ge [sflag:s0], $0x6400  }
0x87: {  	s15 =	rddreg [dreg:$0x4];
	[sflag:s0] =	ssyncset.done $0x0  }
0x88: {  	[sflag:s0] =	ssyncadd.s32 $0xFFFF9C00;
	s15 =	sadd.s32 s14, s15  }
0x89: {  	[hbm4b:s15+s2] =	stream.linear.scatter [tilespmem:s22], [sflag:$0x7], $0x6400, $0x38;
	[tilespmem:$0x19C80] =	vst v63  }
0x8a: {  	_ = 	snop  }
0x8b: {  	[tilespmem:s21], [sflag:$0xB] =	stream.linear.gather [hbm4b:s13+s2], $0x320, $0x38;
	[tilespmem:$0x19C80] =	vst v63  }
0x8c: {  	_ =	swait.ge [sflag:s1], $0x6400  }
0x8d: {  	[sflag:s1] =	ssyncset.done $0x0  }
0x8e: {  	[sflag:s1] =	ssyncadd.s32 $0xFFFF9C00  }
0x8f: {  	_ =	swait.ge [sflag:s5], $0x320  }
0x90: {  	[sflag:s5] =	ssyncset.done $0x0  }
0x91: {  	[sflag:s5] =	ssyncadd.s32 $0xFFFFFCE0  }
0x92: {  	[tilespmem:s22], [sflag:$0x3] =	stream.indirect.gather [hbm4b:s3+s18], $0x20, s21, s18, $0xb8;
	[tilespmem:$0x19C80] =	vst v63  }
0x93: {  	_ =	swait.ge [sflag:s6], $0x6400  }
0x94: {  	s15 =	rddreg [dreg:$0x3];
	[sflag:s6] =	ssyncset.done $0x0  }
0x95: {  	[sflag:s6] =	ssyncadd.s32 $0xFFFF9C00;
	s14 =	sadd.s32 s14, s15  }
0x96: {  	[hbm4b:s14+s2] =	stream.linear.scatter [tilespmem:s24], [sflag:$0x8], $0x6400, $0x38;
	[tilespmem:$0x19C80] =	vst v63  }
0x97: {  	_ = 	snop  }
0x98: {  	[tilespmem:s23], [sflag:$0xC] =	stream.linear.gather [hbm4b:s4+s2], $0x320, $0x38;
	[tilespmem:$0x19C80] =	vst v63  }
0x99: {  	p0 =	sne.s32 s10, $0x5DC00;
	_ =	swait.ge [sflag:s7], $0x6400  }
.Ltmp0:
0x9a: {  	[sflag:s7] =	ssyncset.done $0x0;
	(pc) =	sbr.rel @p0 .LBB2_2-.Ltmp0, $4  }
0x9b: {  	[sflag:s7] =	ssyncadd.s32 $0xFFFF9C00  }
0x9c: {  	s10 =	sadd.s32 $0x3200, s10;
	_ =	swait.ge [sflag:s8], $0x320  }
0x9d: {  	s12 =	sadd.s32 $0x190, s12;
	s11 =	sadd.s32 $0x190, s11;
	[sflag:s8] =	ssyncset.done $0x0  }
0x9e: {  	s13 =	sadd.s32 $0x190, s13;
	s4 =	sadd.s32 $0x190, s4;
	[sflag:s8] =	ssyncadd.s32 $0xFFFFFCE0  }
0x9f: {  	[tilespmem:s24], [sflag:$0x4] =	stream.indirect.gather [hbm4b:s3+s18], $0x20, s23, s18, $0xb8;
	[tilespmem:$0x19C80] =	vst v63  }
0xa0: {  	_ =	swait.ge [sflag:s25], $0x6400  }
0xa1: {  	[sflag:s25] =	ssyncset.done $0x0  }
0xa2: {  	s4 =	rddreg [dreg:$0xb];
	[sflag:s25] =	ssyncadd.s32 $0xFFFF9C00  }
0xa3: {  	[hbm4b:s4+s2] =	stream.linear.scatter [tilespmem:s19], [sflag:$0x5], $0x6400, $0x38;
	[tilespmem:$0x19C80] =	vst v63  }
0xa4: {  	_ =	swait.ge [sflag:s29], $0x6400  }
0xa5: {  	[sflag:s29] =	ssyncset.done $0x0  }
0xa6: {  	s12 =	rddreg [dreg:$0xc];
	[sflag:s29] =	ssyncadd.s32 $0xFFFF9C00  }
0xa7: {  	[hbm4b:s12+s2] =	stream.linear.scatter [tilespmem:s20], [sflag:$0x6], $0x6400, $0x38;
	[tilespmem:$0x19C80] =	vst v63  }
0xa8: {  	_ =	swait.ge [sflag:s0], $0x6400  }
0xa9: {  	[sflag:s0] =	ssyncset.done $0x0  }
0xaa: {  	s13 =	rddreg [dreg:$0xd];
	[sflag:s0] =	ssyncadd.s32 $0xFFFF9C00  }
0xab: {  	[hbm4b:s13+s2] =	stream.linear.scatter [tilespmem:s22], [sflag:$0x7], $0x6400, $0x38;
	[tilespmem:$0x19C80] =	vst v63  }
0xac: {  	_ =	swait.ge [sflag:s6], $0x6400  }
0xad: {  	[sflag:s6] =	ssyncset.done $0x0  }
0xae: {  	s14 =	rddreg [dreg:$0xe];
	[sflag:s6] =	ssyncadd.s32 $0xFFFF9C00  }
0xaf: {  	[hbm4b:s14+s2] =	stream.linear.scatter [tilespmem:s24], [sflag:$0x8], $0x6400, $0x38;
	[tilespmem:$0x19C80] =	vst v63  }
0xb0: {  	_ =	swait.ge [sflag:s26], $0x6400  }
0xb1: {  	[sflag:s26] =	ssyncset.done $0x0  }
0xb2: {  	[sflag:s26] =	ssyncadd.s32 $0xFFFF9C00  }
0xb3: {  	_ =	swait.ge [sflag:s30], $0x6400  }
0xb4: {  	[sflag:s30] =	ssyncset.done $0x0  }
0xb5: {  	[sflag:s30] =	ssyncadd.s32 $0xFFFF9C00  }
0xb6: {  	_ =	swait.ge [sflag:s1], $0x6400  }
0xb7: {  	[sflag:s1] =	ssyncset.done $0x0  }
0xb8: {  	[sflag:s1] =	ssyncadd.s32 $0xFFFF9C00  }
0xb9: {  	_ =	swait.ge [sflag:s7], $0x6400  }
0xba: {  	s9 =	sadd.s32 $0x1, s9;
	s15 =	rddreg [dreg:$0xf]  }
0xbb: {  	p0 =	sne.s32 s9, s15  }
.Ltmp1:
0xbc: {  	_ = 	snop;
	(pc) =	sbr.rel @p0 .LBB2_1-.Ltmp1, $3  }
0xbd: {  	_ =	sdelay $0x1  }
0xbe: {  	[sflag:s7] =	ssyncset.done $0x0  }
0xbf: {  	[sflag:s7] =	ssyncadd.s32 $0xFFFF9C00  }
0xc0: {  	_ =	sfence.sel $0x180000  }
0xc1: {  	[bflag:$0x0] =	sbarrier.arrive $0xFFFF  }
0xc2: {  	_ =	strace $0x90000047  }
0xc3: {  	s0 =	stileid.u32;
	[bflag:$0x2] =	sbarrier.arrive $0xFFFF  }
0xc4: {  	p0 =	sne.s32 s0, $0x0;
	s0 =	rddreg [dreg:$0x2]  }
0xc5: {  	s0 =	sadd.s32 @!p0 $0x100000, s0  }
0xc6: {  	[sflag:s0] =	ssyncadd.tile.s32 @!p0 $0x1;
	_ =	shalt  }
.Lfunc_end2:
_tile_overlayer_lowered:
.L_overlay_start_2:
0xc7: {  	(tag) =	ssettag $0x2  }
0xc8: {  	s0 =	rddreg [dreg:$0x0];
	s2 =	stileid.u32  }
0xc9: {  	s1 =	rddreg [dreg:$0x1];
	p0 =	sne.s32 s2, $0x0  }
0xca: {  	s3 =	rddreg [dreg:$0x2];
	[bflag:$0x3] =	sbarrier.arrive $0xFFFF;
	s2 =	simm.s32 @!p0 $0x1C0D  }
0xcb: {  	[timem:s3], [sflag:s2] =	dma.local @!p0 [hbm:s0], s1  }
0xcc: {  	s0 =	simm.s32 @!p0 $0xD  }
0xcd: {  	_ =	swait.ge @!p0 [sflag:s0], s1  }
0xce: {  	s1 =	ssub.s32 @!p0 $0x0, s1;
	[sflag:s0] =	ssyncset.done @!p0 $0x0  }
0xcf: {  	[sflag:s0] =	ssyncadd.s32 @!p0 s1  }
0xd0: {  	[bflag:$0x3] =	sbarrier.arrive $0xFFFF  }
0xd1: {  	_ =	shalt  }

// kernel: sparse-core-data-format-call.cloned.1.call-start
scs
called_computation_lowered:
.L_overlay_start_0:
0x0: {  	s2 =	sld [smem:$0x3FD9]  }
0x1: {  	s3 =	sld [smem:$0x3FFE];
	_ =	sdelay $0x1  }
0x2: {  	s1 =	srdreg.scid  }
0x3: {  	s0 =	sand.u32 $0x1, s1  }
0x4: {  	s18 =	sshll.u32 s0, $0xA;
	s2 =	sadd.s32 s3, s2  }
0x5: {  	s2 =	sadd.s32 s2, s18  }
0x6: {  	[smem:$0x3FC6] =	sst s2  }
0x7: {  	_ = 	snop  }
0x8: {  	s2 =	sld [smem:$0x3FD0];
	(tm) =	ssettm $0x1  }
0x9: {  	s19 =	sld [smem:$0x3FFB];
	_ =	sdelay $0x3  }
0xa: {  	_ =	strace s19  }
0xb: {  	s3 =	sld [smem:$0x3FFC];
	_ =	sdelay $0x3  }
0xc: {  	_ =	strace s3  }
0xd: {  	s3 =	sld [smem:$0x3FFD];
	_ =	sdelay $0x3  }
0xe: {  	_ =	strace s3  }
0xf: {  	_ =	strace $0x8FFFFFFF  }
0x10: {  	s20 =	sld [smem:$0x3FDB];
	_ =	sdelay $0x1  }
0x11: {  	s4 =	simm.s32 $_scs_section_size  }
0x12: {  	s5 =	simm.s32 $_size__tile_overlayer_lowered;
	s6 =	simm.s32 $_tile_overlayer_lowered  }
0x13: {  	s23 =	simm.s32 $0x1BFF;
	s22 =	sshll.u32 s6, $0x1;
	s3 =	sadd.s32 s4, s20  }
0x14: {  	s7 =	simm.s32 $0x0;
	s21 =	sshll.u32 s5, $0x1;
	s5 =	sadd.s32 s22, s3  }
0x15: {  	[timem:s7], [sflag:s23] =	dma.local [hbm:s5], s21  }
0x16: {  	_ =	swait.ge [sflag:s23], s21  }
0x17: {  	s4 =	ssub.s32 $0x0, s21;
	[sflag:s23] =	ssyncset.done $0x0  }
0x18: {  	[sflag:s23] =	ssyncadd.s32 s4;
	_ =	sdelay $0x1  }
0x19: {  	s24 =	simm.s32 $0x1B8B  }
0x1a: {  	_ =	swait.ge [sflag:s24], $0x1  }
0x1b: {  	[sflag:s24] =	ssyncset.done $0x0  }
0x1c: {  	s26 =	simm.s32 $0x1B8E;
	s25 =	sld [smem:$0x3FFE];
	[sflag:s24] =	ssyncadd.s32 $0xFFFFFFFF  }
0x1d: {  	s27 =	simm.s32 $execute0_lowered;
	[smem:$0x3FD2] =	sst s26  }
0x1e: {  	s5 =	sshll.u32 s27, $0x1;
	_ =	strace $0x80000049;
	[dreg:$0x1] =	wrdreg $0xFFFFFFFF  }
0x1f: {  	s28 =	simm.s32 $_size_execute0_lowered;
	s3 =	sadd.s32 s3, s5;
	[dreg:$0x0] =	wrdreg $0x0  }
0x20: {  	s5 =	sshll.u32 s28, $0x1;
	[dreg:$0x2] =	wrdreg s3  }
0x21: {  	[dreg:$0x3] =	wrdreg s5  }
0x22: {  	[dreg:$0x4] =	wrdreg $0xC0  }
0x23: {  	_ =	task [dreg:s7], $0x5FFFF  }
0x24: {  	[dreg:$0x1] =	wrdreg $0xFFFFFFFF  }
0x25: {  	[dreg:$0x0] =	wrdreg $0x60  }
0x26: {  	[dreg:$0x2] =	wrdreg s25  }
0x27: {  	[dreg:$0x3] =	wrdreg s2  }
0x28: {  	[dreg:$0x4] =	wrdreg $0x9  }
0x29: {  	_ =	task.clear_ibuf [dreg:s7], $0x5FFFF;
	_ =	strace $0x90000049  }
0x2a: {  	s29 =	simm.s32 $0x9;
	_ =	strace $0x8000004B  }
0x2b: {  	_ =	swait.ge [sflag:s29], $0x1  }
0x2c: {  	[sflag:s29] =	ssyncadd.s32 $0xFFFFFFFF  }
0x2d: {  	_ =	strace $0x9000004B  }
0x2e: {  	_ =	sfence  }
0x2f: {  	s30 =	sld [smem:$0x0];
	_ =	sdelay $0x2  }
0x30: {  	s31 =	sshll.u32 s1, $0xD;
	s1 =	sshrl.u32 s1, $0x2  }
0x31: {  	s3 =	sand.u32 $0x4000, s31;
	s1 =	sadd.s32 s1, s30  }
0x32: {  	s0 =	sor.u32 s3, s0;
	s1 =	sshll.u32 s1, $0x11  }
0x33: {  	s0 =	sor.u32 s1, s0  }
0x34: {  	s0 =	sadd.s32 $0x8F2B, s0  }
0x35: {  	[sflag:s0] =	ssyncadd.remote.s32 $0x1  }
0x36: {  	_ =	sfence.sel $0xFFFF  }
0x37: {  	[dreg:$0x0] =	wrdreg $0xFFFFFFFF;
	(pc) =	sbr.abs _section_cstart, $3  }
0x38: {  	[dreg:$0x1] =	wrdreg $0xFFFFFFFF  }
0x39: {  	_ =	task.clear_ibuf [dreg:s7], $0x2FFFF;
	_ =	strace $0x9FFFFFFF  }
0x3a: {  	(tm) =	ssettm $0x7FFFFFFF  }
0x3b: {  	_ =	shalt  }
tec
execute0_lowered:
.L_overlay_start_1:
0x0: {  	(tag) =	ssettag $0x1  }
0x1: {  	s0 =	srdreg.scid  }
0x2: {  	s1 =	sshll.u32 s0, $0x4  }
0x3: {  	s0 =	stileid.u32;
	s1 =	sand.u32 $0x10, s1  }
0x4: {  	s1 =	sor.u32 s0, s1  }
0x5: {  	s6 =	rddreg [dreg:$0x0];
	s4 =	simm.s32 $0x1;
	s2 =	sshll.u32 s1, $0x7  }
0x6: {  	s7 =	simm.s32 $0x2;
	s12 =	simm.s32 $0x0;
	s1 =	ssub.s32 $0x4000, s2  }
0x7: {  	s8 =	simm.s32 $0x20000;
	s13 =	simm.s32 $0x0;
	s3 =	sand.u32 $0xF80, s1  }
0x8: {  	s9 =	simm.s32 $0x0;
	s5 =	sshrl.u32 s1, $0xC;
	p0 =	sne.s32 s3, $0x0  }
.Ltmp0:
0x9: {  	s1 =	rddreg [dreg:$0x2];
	s4 =	simm.s32 @!p0 $0x0;
	(pc) =	sbr.rel .LBB1_1-.Ltmp0, $4  }
0xa: {  	s11 =	simm.s32 $0x0;
	s3 =	rddreg [dreg:$0x1];
	s5 =	sadd.s32 s4, s5  }
0xb: {  	_ =	strace $0x8000004A;
	s4 =	simm.s32 $0x1;
	s5 =	smul.u32 $0xC8, s5  }
0xc: {  	s6 =	sadd.s32 $0x800, s6;
	s10 =	smov.u32 s2;
	[sflag:s4] =	ssyncpa.u1 $0x0  }
0xd: {  	p0 =	por $0x0, $0x0;
	[sflag:s7] =	ssyncpa.u1 $0x0;
	s7 =	sor.u32 $0x1, s5  }
.LBB1_4:
0xe: {  	s16 =	sshll.u32 s13, $0x3;
	s17 =	sand.u32 $0x78, s13  }
0xf: {  	s30 =	sand.u32 $0xF800, s13;
	s12 =	sshll.u32 s12, $0x10;
	s16 =	sand.u32 $0x3C00, s16  }
0x10: {  	s31 =	sand.u32 $0x7, s13;
	s16 =	sor.u32 s17, s16;
	s17 =	sadd.s32 s3, s30  }
0x11: {  	s13 =	sshll.u32 s31, $0x12;
	s16 =	sshrl.u32 s16, $0x3;
	s12 =	sadd.s32 s12, s17  }
0x12: {  	[tilespmem:s15+$0x0 ss:$0x81] =	vst.msk $0xffff, v0;
	s13 =	sor.u32 $0x400, s13;
	s12 =	sadd.s32 s16, s12  }
0x13: {  	[hbm4b:s12+s13] =	stream.strided.scatter [tilespmem:s14], [sflag:$0x2], $0x1000, s8, s13, $0x20;
	[tilespmem:$0x4040] =	vst v63  }
.LBB1_5:
0x14: {  	s14 =	sadd.s32 $0x1, s9  }
0x15: {  	s12 =	sadd.s32 $0x1000, s10;
	s16 =	smov.u32 s10;
	p2 =	sgt.s32 s14, $0xC7  }
0x16: {  	s16 =	smov.u32 @p2 s12  }
0x17: {  	s14 =	simm.s32 @p2 $0x0;
	p2 =	sgt.s32 s16, $0x3FFF  }
0x18: {  	s16 =	smov.u32 @p2 s2;
	p2 =	sne.s32 s11, s7  }
.Ltmp1:
0x19: {  	p1 =	slt.u32 s11, $0x2;
	(pc) =	sbr.rel @!p2 .LBB1_6-.Ltmp1, $4  }
0x1a: {  	s15 =	simm.s32 @!p1 $0x2  }
0x1b: {  	s13 =	smov.u32 s10;
	p0 =	por !p0, !p0;
	_ =	swait.ge @!p1 [sflag:s15], $0x1000  }
0x1c: {  	s12 =	smov.u32 s9;
	[sflag:s15] =	ssyncset.done @!p1 $0x0;
	s9 =	smov.u32 s14  }
0x1d: {  	s11 =	sadd.s32 $0x1, s11;
	[sflag:s15] =	ssyncadd.s32 @!p1 $0xFFFFF000;
	s10 =	smov.u32 s16  }
.LBB1_1:
0x1e: {  	p1 =	sge.u32 s11, s5  }
0x1f: {  	s14 =	sand.u32 @!p1 $0x1FFFFFF, s9  }
0x20: {  	s15 =	smulhi.u32 @!p1 $0x147AE15, s14;
	_ =	sdelay $0x1  }
0x21: {  	s15 =	smul.u32 @!p1 $0xC8, s15  }
0x22: {  	s16 =	sxor.u32 @!p1 $0xFFFFFFFF, s11;
	s17 =	smul.u32 @!p1 $0xC80, s10  }
0x23: {  	s31 =	sadd.s32 $0xFFFFFFFF, s11;
	s16 =	sshll.u32 @!p1 s16, $0xC;
	s14 =	ssub.s32 @!p1 s14, s15  }
0x24: {  	s15 =	sand.u32 @!p1 $0x1000, s16;
	s16 =	sadd.s32 @!p1 s6, s17;
	s14 =	sshll.u32 @!p1 s14, $0x4  }
0x25: {  	s17 =	simm.s32 @!p1 $0x6400;
	s14 =	sadd.s32 @!p1 s14, s16;
	s16 =	simm.s32 @!p1 $0x20  }
0x26: {  	[tilespmem:s15], [sflag:$0x1] =	stream.strided.gather @!p1 [hbm4b:s14+s16], $0x1000, s17, s16, $0x38;
	[tilespmem:$0x4040] =	vst v63  }
0x27: {  	p1 =	sge.u32 s31, s5  }
.Ltmp2:
0x28: {  	_ = 	snop;
	(pc) =	sbr.rel @p1 .LBB1_5-.Ltmp2, $1  }
0x29: {  	_ =	sdelay $0x3  }
0x2a: {  	s14 =	simm.s32 $0x1  }
0x2b: {  	_ =	swait.ge [sflag:s4], $0x1000;
	s14 =	simm.s32 @!p0 $0x0  }
0x2c: {  	[sflag:s4] =	ssyncset.done $0x0;
	s15 =	sshll.u32 s14, $0xC  }
0x2d: {  	[sflag:s4] =	ssyncadd.s32 $0xFFFFF000;
	s18 =	sor.u32 $0x10, s15  }
0x2e: {  	s14 =	smul.u32 $0x4080, s14;
	v1 =	vld [tilespmem:s18+$0x0]  }
0x2f: {  	s30 =	sand.u32 $0x1, s11;
	v0 =	vld [tilespmem:s18+$0xFFFFFFF0]  }
0x30: {  	s15 =	smul.u32 $0x4080, s30;
	s14 =	sshrl.u32 s14, $0x2  }
0x31: {  	s16 =	sor.u32 $0x2000, s14  }
0x32: {  	s31 =	sshrl.u32 s15, $0x2;
	s15 =	sadd.s32 $0x0, s16  }
0x33: {  	s17 =	simm.s32 $0x4;
	s18 =	sadd.s32 $0x20, s18;
	s14 =	sor.u32 $0x2000, s31;
	[tilespmem:s15+$0x810 ss:$0x81] =	vst.msk $0xffff, v1  }
.LBB1_3:
0x34: {  	v1 =	vld [tilespmem:s18+$0x0];
	p1 =	sne.s32 s17, $0x1FC;
	[tilespmem:s15+$0x0 ss:$0x81] =	vst.msk $0xffff, v0;
	s15 =	smov.u32 s17;
	s17 =	sadd.s32 $0x4, s17  }
.Ltmp3:
0x35: {  	v0 =	vld [tilespmem:s18+$0xFFFFFFF0];
	(pc) =	sbr.rel @p1 .LBB1_3-.Ltmp3, $4  }
0x36: {  	_ = 	snop  }
0x37: {  	s15 =	sshra.s32 s15, $0x2  }
0x38: {  	s15 =	sadd.s32 s15, s16  }
0x39: {  	s18 =	sadd.s32 $0x20, s18;
	[tilespmem:s15+$0x810 ss:$0x81] =	vst.msk $0xffff, v1  }
.Ltmp4:
0x3a: {  	_ = 	snop;
	(pc) =	sbr.rel .LBB1_4-.Ltmp4, $1  }
0x3b: {  	_ =	sdelay $0x3  }
.LBB1_6:
0x3c: {  	_ =	sfence.sel $0x180000  }
0x3d: {  	s2 =	simm.s32 $0x1;
	[bflag:$0x0] =	sbarrier.arrive $0xFFFF  }
0x3e: {  	s31 =	simm.s32 $0x2;
	[sflag:s2] =	ssyncpa.u1 $0x1  }
0x3f: {  	[sflag:s31] =	ssyncpa.u1 $0x1  }
0x40: {  	p0 =	sne.s32 s0, $0x0;
	_ =	strace $0x9000004A  }
0x41: {  	s0 =	sadd.s32 @!p0 $0x100000, s1;
	[bflag:$0x2] =	sbarrier.arrive $0xFFFF  }
0x42: {  	[sflag:s0] =	ssyncadd.tile.s32 @!p0 $0x1;
	_ =	shalt  }
.Lfunc_end1:
_tile_overlayer_lowered:
.L_overlay_start_2:
0x43: {  	(tag) =	ssettag $0x2  }
0x44: {  	s0 =	rddreg [dreg:$0x0];
	s2 =	stileid.u32  }
0x45: {  	s1 =	rddreg [dreg:$0x1];
	p0 =	sne.s32 s2, $0x0  }
0x46: {  	s3 =	rddreg [dreg:$0x2];
	[bflag:$0x3] =	sbarrier.arrive $0xFFFF;
	s2 =	simm.s32 @!p0 $0x1C01  }
0x47: {  	[timem:s3], [sflag:s2] =	dma.local @!p0 [hbm:s0], s1  }
0x48: {  	s0 =	simm.s32 @!p0 $0x1  }
0x49: {  	_ =	swait.ge @!p0 [sflag:s0], s1  }
0x4a: {  	s1 =	ssub.s32 @!p0 $0x0, s1;
	[sflag:s0] =	ssyncset.done @!p0 $0x0  }
0x4b: {  	[sflag:s0] =	ssyncadd.s32 @!p0 s1  }
0x4c: {  	[bflag:$0x3] =	sbarrier.arrive $0xFFFF  }
0x4d: {  	_ =	shalt  }

</sc_bundles>
